<compile_context>
chip_gen: v7x
topology: tpu7x:2x2x1
jax: 0.10.2.dev20260603
libtpu: 0.0.44.dev20260713+nightly
codegen_flags: <defaults>
</compile_context>

<pallas_src>
import functools

import jax
import jax.numpy as jnp
from jax import lax
from jax.experimental import pallas as pl
from jax.experimental.pallas import tpu as pltpu
from jax.experimental.pallas import tpu_sc as plsc
from jax.experimental.layout import Layout, with_layout_constraint

VOCAB = 100000
CTX = 20
EMB = 256
HID = 512
B = 1024

ROWS = B * CTX
NC, NS = 2, 16
NW = NC * NS
ROWS_PER_W = ROWS // NW
CHUNK = 320
NCHUNK = ROWS_PER_W // CHUNK

VB = 2048
NVB = -(-VOCAB // VB)


def _sc_gather(emb, idx):
    mesh = plsc.VectorSubcoreMesh(core_axis_name="c", subcore_axis_name="s")

    @functools.partial(
        pl.kernel,
        out_type=jax.ShapeDtypeStruct((ROWS, EMB), jnp.float32),
        mesh=mesh,
        scratch_types=[
            pltpu.VMEM((ROWS_PER_W,), jnp.int32),
            pltpu.VMEM((CHUNK, EMB), jnp.float32),
            pltpu.SemaphoreType.DMA,
        ],
    )
    def k(emb_hbm, idx_hbm, out_hbm, idx_v, rows_v, sem):
        wid = lax.axis_index("s") * NC + lax.axis_index("c")
        base = wid * ROWS_PER_W
        pltpu.sync_copy(idx_hbm.at[pl.ds(base, ROWS_PER_W)], idx_v)
        for c in range(NCHUNK):
            pltpu.async_copy(
                emb_hbm.at[idx_v.at[pl.ds(c * CHUNK, CHUNK)]], rows_v, sem
            ).wait()
            pltpu.sync_copy(rows_v, out_hbm.at[pl.ds(base + c * CHUNK, CHUNK)])

    return k(emb, idx)


def _l1_body(x_ref, w1_ref, b1_ref, h_ref):
    acc = jnp.broadcast_to(b1_ref[...].astype(jnp.float32), (B, HID))
    for c in range(CTX):
        acc = acc + lax.dot_general(
            x_ref[c], w1_ref[:, c * EMB:(c + 1) * EMB], (((1,), (1,)), ((), ())),
            preferred_element_type=jnp.float32,
        )
    h_ref[...] = jnp.maximum(acc, 0.0).astype(jnp.bfloat16)


def _l1(x3, W1, b1):
    return pl.pallas_call(
        _l1_body,
        out_shape=jax.ShapeDtypeStruct((B, HID), jnp.bfloat16),
    )(x3, W1, b1.reshape(1, HID))


def _l2_body(h_ref, w2_ref, b2_ref, out_ref):
    acc = lax.dot_general(
        w2_ref[...].astype(jnp.bfloat16), h_ref[...], (((1,), (1,)), ((), ())),
        preferred_element_type=jnp.float32,
    )
    out_ref[...] = acc + jnp.transpose(b2_ref[...])


def _l2(h, W2, b2):
    return pl.pallas_call(
        _l2_body,
        grid=(NVB,),
        in_specs=[
            pl.BlockSpec((B, HID), lambda j: (0, 0)),
            pl.BlockSpec((VB, HID), lambda j: (j, 0)),
            pl.BlockSpec((1, VB), lambda j: (0, j)),
        ],
        out_specs=pl.BlockSpec((VB, B), lambda j: (j, 0)),
        out_shape=jax.ShapeDtypeStruct((VOCAB, B), jnp.float32),
    )(h, W2, b2.reshape(1, VOCAB))


def kernel(inputs, emb, W1, b1, W2, b2):
    idx = inputs.T.reshape(-1).astype(jnp.int32)
    x3 = _sc_gather(emb, idx).reshape(CTX, B, EMB)
    h = _l1(x3, W1, b1)
    out = _l2(h, W2, b2).T
    return with_layout_constraint(out, Layout((1, 0)))

# --- scband reference (transcript-rebuilt; emitter-appended) ---
"""Pipeline reference for scband-ngram-language-modeler-24927990186127 (READ-ONLY COPY).

The authoritative reference and input builder live on the scoring server;
editing this copy changes nothing except your own understanding.
"""

import jax, jax.numpy as jnp
import numpy as np

VOCAB = 100000
CTX = 20
EMB = 256
HID = 512
B = 1024

def setup_inputs(seed: int = 0) -> dict:
    key = jax.random.key(seed)
    ks = jax.random.split(key, 6)
    inputs = jax.random.randint(ks[0], (B, CTX), 0, VOCAB, dtype=jnp.int64 if jax.config.read('jax_enable_x64') else jnp.int32)
    emb = jax.random.normal(ks[1], (VOCAB, EMB), dtype=jnp.float32) * 0.02
    W1 = jax.random.normal(ks[2], (HID, CTX * EMB), dtype=jnp.float32) * 0.02
    b1 = jnp.zeros((HID,), dtype=jnp.float32)
    W2 = jax.random.normal(ks[3], (VOCAB, HID), dtype=jnp.float32) * 0.02
    b2 = jnp.zeros((VOCAB,), dtype=jnp.float32)
    return {"inputs": inputs, "emb": emb, "W1": W1, "b1": b1, "W2": W2, "b2": b2}

def reference(inputs, emb, W1, b1, W2, b2):
    # embeds = self.embeddings(inputs).view((B, 1, -1))
    embeds = jnp.take(emb, inputs, axis=0).reshape((inputs.shape[0], 1, -1))
    # out = F.relu(self.linear1(embeds))
    out = jax.nn.relu(jnp.matmul(embeds, W1.T) + b1)
    # out = self.linear2(out)
    out = jnp.matmul(out, W2.T) + b2
    # log_probs = out.squeeze(dim=1)
    log_probs = jnp.squeeze(out, axis=1)
    return log_probs

if __name__ == "__main__":
    import jax
    _d = setup_inputs()
    print(jax.jit(kernel)(*tuple(_d.values())))

</pallas_src>

<mosaic_0001>
#map = affine_map<(d0, d1) -> (0, 0)>
#map1 = affine_map<(d0, d1) -> (0)>
module attributes {stable_mosaic.version = 14 : i64} {
  func.func @k(%arg0: i32, %arg1: i32, %arg2: memref<100000x256xf32, #tpu.memory_space<hbm>>, %arg3: memref<20480xi32, #tpu.memory_space<hbm>>, %arg4: memref<20480x256xf32, #tpu.memory_space<hbm>>, %arg5: memref<640xi32, #tpu.memory_space<vmem>>, %arg6: memref<320x256xf32, #tpu.memory_space<vmem>>, %arg7: memref<!tpu.dma_semaphore, #tpu.memory_space<semaphore_mem>>) attributes {dimension_semantics = [#tpu.dimension_semantics<core_parallel>, #tpu.dimension_semantics<subcore_parallel>], iteration_bounds = array<i64: 2, 16>, scalar_prefetch = 0 : i64, scratch_operands = 3 : i64, tpu.core_type = #tpu.core_type<sc_vector_subcore>, window_params = [{transform_indices = #map}, {transform_indices = #map1}, {transform_indices = #map}]} {
    %mul3A = arith.constant 2 : i32
    %mul3A_0 = arith.muli %arg1, %mul3A : i32
    %add3A = arith.addi %mul3A_0, %arg0 : i32
    %mul3A_1 = arith.constant 640 : i32
    %mul3A_2 = arith.muli %add3A, %mul3A_1 : i32
    "tpu.region"() ({
      %run_scoped3A = tpu.sem_alloc : memref<!tpu.dma_semaphore, #tpu.memory_space<semaphore_mem>>
      %dma_start3A_25 = tpu.memref_slice %arg3[%mul3A_2] : memref<20480xi32, #tpu.memory_space<hbm>> -> memref<640xi32, #tpu.memory_space<hbm>>
      %dma_start3A_26 = tpu.memref_slice %arg3[%mul3A_2] : memref<20480xi32, #tpu.memory_space<hbm>> -> memref<640xi32, #tpu.memory_space<hbm>>
      tpu.enqueue_dma source(%dma_start3A_26 : memref<640xi32, #tpu.memory_space<hbm>>) target(%arg5 : memref<640xi32, #tpu.memory_space<vmem>>) target_semaphore(%run_scoped3A : memref<!tpu.dma_semaphore, #tpu.memory_space<semaphore_mem>>)
      %dma_wait3A_27 = tpu.memref_slice %arg3[%mul3A_2] : memref<20480xi32, #tpu.memory_space<hbm>> -> memref<640xi32, #tpu.memory_space<hbm>>
      %dma_wait3A_28 = tpu.memref_slice %arg3[%mul3A_2] : memref<20480xi32, #tpu.memory_space<hbm>> -> memref<640xi32, #tpu.memory_space<hbm>>
      tpu.wait_dma2 semaphore(%run_scoped3A : memref<!tpu.dma_semaphore, #tpu.memory_space<semaphore_mem>>) src(%dma_wait3A_28 : memref<640xi32, #tpu.memory_space<hbm>>) dst(%arg5 : memref<640xi32, #tpu.memory_space<vmem>>)
      tpu.yield
    }) : () -> ()
    %dma_start3A = arith.constant 0 : i32
    %dma_start3A_3 = tpu.memref_slice %arg5[%dma_start3A] : memref<640xi32, #tpu.memory_space<vmem>> -> memref<320xi32, #tpu.memory_space<vmem>>
    %dma_start3A_4 = arith.constant 0 : i32
    %dma_start3A_5 = arith.constant 0 : i32
    %dma_start3A_6 = tpu.memref_slice %arg2[%dma_start3A_4, %dma_start3A_5] : memref<100000x256xf32, #tpu.memory_space<hbm>> -> memref<100000x256xf32, #tpu.memory_space<hbm>>
    tpu.enqueue_indirect_dma source(%dma_start3A_6 : memref<100000x256xf32, #tpu.memory_space<hbm>>) target(%arg6 : memref<320x256xf32, #tpu.memory_space<vmem>>) offsets(%dma_start3A_3 : memref<320xi32, #tpu.memory_space<vmem>>) semaphore(%arg7 : memref<!tpu.dma_semaphore, #tpu.memory_space<semaphore_mem>>)
    %dma_wait3A = arith.constant 0 : i32
    %dma_wait3A_7 = tpu.memref_slice %arg5[%dma_wait3A] : memref<640xi32, #tpu.memory_space<vmem>> -> memref<320xi32, #tpu.memory_space<vmem>>
    %dma_wait3A_8 = arith.constant 0 : i32
    %dma_wait3A_9 = arith.constant 0 : i32
    %dma_wait3A_10 = tpu.memref_slice %arg2[%dma_wait3A_8, %dma_wait3A_9] : memref<100000x256xf32, #tpu.memory_space<hbm>> -> memref<100000x256xf32, #tpu.memory_space<hbm>>
    tpu.wait_indirect_dma semaphore(%arg7 : memref<!tpu.dma_semaphore, #tpu.memory_space<semaphore_mem>>) src(%dma_wait3A_10 : memref<100000x256xf32, #tpu.memory_space<hbm>>) dst(%arg6 : memref<320x256xf32, #tpu.memory_space<vmem>>)
    %add3A_11 = arith.constant 0 : i32
    %add3A_12 = arith.addi %mul3A_2, %add3A_11 : i32
    "tpu.region"() ({
      %run_scoped3A = tpu.sem_alloc : memref<!tpu.dma_semaphore, #tpu.memory_space<semaphore_mem>>
      %dma_start3A_25 = arith.constant 0 : i32
      %dma_start3A_26 = tpu.memref_slice %arg4[%add3A_12, %dma_start3A_25] : memref<20480x256xf32, #tpu.memory_space<hbm>> -> memref<320x256xf32, #tpu.memory_space<hbm>>
      %dma_start3A_27 = arith.constant 0 : i32
      %dma_start3A_28 = tpu.memref_slice %arg4[%add3A_12, %dma_start3A_27] : memref<20480x256xf32, #tpu.memory_space<hbm>> -> memref<320x256xf32, #tpu.memory_space<hbm>>
      tpu.enqueue_dma source(%arg6 : memref<320x256xf32, #tpu.memory_space<vmem>>) target(%dma_start3A_28 : memref<320x256xf32, #tpu.memory_space<hbm>>) target_semaphore(%run_scoped3A : memref<!tpu.dma_semaphore, #tpu.memory_space<semaphore_mem>>)
      %dma_wait3A_29 = arith.constant 0 : i32
      %dma_wait3A_30 = tpu.memref_slice %arg4[%add3A_12, %dma_wait3A_29] : memref<20480x256xf32, #tpu.memory_space<hbm>> -> memref<320x256xf32, #tpu.memory_space<hbm>>
      %dma_wait3A_31 = arith.constant 0 : i32
      %dma_wait3A_32 = tpu.memref_slice %arg4[%add3A_12, %dma_wait3A_31] : memref<20480x256xf32, #tpu.memory_space<hbm>> -> memref<320x256xf32, #tpu.memory_space<hbm>>
      tpu.wait_dma2 semaphore(%run_scoped3A : memref<!tpu.dma_semaphore, #tpu.memory_space<semaphore_mem>>) src(%arg6 : memref<320x256xf32, #tpu.memory_space<vmem>>) dst(%dma_wait3A_32 : memref<320x256xf32, #tpu.memory_space<hbm>>)
      tpu.yield
    }) : () -> ()
    %dma_start3A_13 = arith.constant 320 : i32
    %dma_start3A_14 = tpu.memref_slice %arg5[%dma_start3A_13] : memref<640xi32, #tpu.memory_space<vmem>> -> memref<320xi32, #tpu.memory_space<vmem>>
    %dma_start3A_15 = arith.constant 0 : i32
    %dma_start3A_16 = arith.constant 0 : i32
    %dma_start3A_17 = tpu.memref_slice %arg2[%dma_start3A_15, %dma_start3A_16] : memref<100000x256xf32, #tpu.memory_space<hbm>> -> memref<100000x256xf32, #tpu.memory_space<hbm>>
    tpu.enqueue_indirect_dma source(%dma_start3A_17 : memref<100000x256xf32, #tpu.memory_space<hbm>>) target(%arg6 : memref<320x256xf32, #tpu.memory_space<vmem>>) offsets(%dma_start3A_14 : memref<320xi32, #tpu.memory_space<vmem>>) semaphore(%arg7 : memref<!tpu.dma_semaphore, #tpu.memory_space<semaphore_mem>>)
    %dma_wait3A_18 = arith.constant 320 : i32
    %dma_wait3A_19 = tpu.memref_slice %arg5[%dma_wait3A_18] : memref<640xi32, #tpu.memory_space<vmem>> -> memref<320xi32, #tpu.memory_space<vmem>>
    %dma_wait3A_20 = arith.constant 0 : i32
    %dma_wait3A_21 = arith.constant 0 : i32
    %dma_wait3A_22 = tpu.memref_slice %arg2[%dma_wait3A_20, %dma_wait3A_21] : memref<100000x256xf32, #tpu.memory_space<hbm>> -> memref<100000x256xf32, #tpu.memory_space<hbm>>
    tpu.wait_indirect_dma semaphore(%arg7 : memref<!tpu.dma_semaphore, #tpu.memory_space<semaphore_mem>>) src(%dma_wait3A_22 : memref<100000x256xf32, #tpu.memory_space<hbm>>) dst(%arg6 : memref<320x256xf32, #tpu.memory_space<vmem>>)
    %add3A_23 = arith.constant 320 : i32
    %add3A_24 = arith.addi %mul3A_2, %add3A_23 : i32
    "tpu.region"() ({
      %run_scoped3A = tpu.sem_alloc : memref<!tpu.dma_semaphore, #tpu.memory_space<semaphore_mem>>
      %dma_start3A_25 = arith.constant 0 : i32
      %dma_start3A_26 = tpu.memref_slice %arg4[%add3A_24, %dma_start3A_25] : memref<20480x256xf32, #tpu.memory_space<hbm>> -> memref<320x256xf32, #tpu.memory_space<hbm>>
      %dma_start3A_27 = arith.constant 0 : i32
      %dma_start3A_28 = tpu.memref_slice %arg4[%add3A_24, %dma_start3A_27] : memref<20480x256xf32, #tpu.memory_space<hbm>> -> memref<320x256xf32, #tpu.memory_space<hbm>>
      tpu.enqueue_dma source(%arg6 : memref<320x256xf32, #tpu.memory_space<vmem>>) target(%dma_start3A_28 : memref<320x256xf32, #tpu.memory_space<hbm>>) target_semaphore(%run_scoped3A : memref<!tpu.dma_semaphore, #tpu.memory_space<semaphore_mem>>)
      %dma_wait3A_29 = arith.constant 0 : i32
      %dma_wait3A_30 = tpu.memref_slice %arg4[%add3A_24, %dma_wait3A_29] : memref<20480x256xf32, #tpu.memory_space<hbm>> -> memref<320x256xf32, #tpu.memory_space<hbm>>
      %dma_wait3A_31 = arith.constant 0 : i32
      %dma_wait3A_32 = tpu.memref_slice %arg4[%add3A_24, %dma_wait3A_31] : memref<20480x256xf32, #tpu.memory_space<hbm>> -> memref<320x256xf32, #tpu.memory_space<hbm>>
      tpu.wait_dma2 semaphore(%run_scoped3A : memref<!tpu.dma_semaphore, #tpu.memory_space<semaphore_mem>>) src(%arg6 : memref<320x256xf32, #tpu.memory_space<vmem>>) dst(%dma_wait3A_32 : memref<320x256xf32, #tpu.memory_space<hbm>>)
      tpu.yield
    }) : () -> ()
    return
  }
}

module attributes {stable_mosaic.version = 14 : i64} {
  func.func @_l2_body(%arg0: i32, %arg1: memref<1024x512xbf16, #tpu.memory_space<vmem>>, %arg2: memref<2048x512xf32, #tpu.memory_space<vmem>>, %arg3: memref<1x2048xf32, #tpu.memory_space<vmem>>, %arg4: memref<2048x1024xf32, #tpu.memory_space<vmem>>) attributes {dimension_semantics = [#tpu.dimension_semantics<arbitrary>], iteration_bounds = array<i64: 49>, scalar_prefetch = 0 : i64, scratch_operands = 0 : i64, tpu.core_type = #tpu.core_type<tc>, window_params = [{pipeline_mode = #tpu.pipeline_mode<synchronous>, transform_indices = @transform_0, window_bounds = array<i64: 1024, 512>}, {transform_indices = @transform_1, window_bounds = array<i64: 2048, 512>}, {transform_indices = @transform_2, window_bounds = array<i64: 1, 2048>}, {transform_indices = @transform_3, window_bounds = array<i64: 2048, 1024>}]} {
    %get3A = arith.constant 0 : index
    %get3A_0 = arith.constant 0 : index
    %get3A_1 = vector.load %arg2[%get3A, %get3A_0] : memref<2048x512xf32, #tpu.memory_space<vmem>>, vector<2048x512xf32>
    %convert_element_type3A = arith.truncf %get3A_1 : vector<2048x512xf32> to vector<2048x512xbf16>
    %get3A_2 = arith.constant 0 : index
    %get3A_3 = arith.constant 0 : index
    %get3A_4 = vector.load %arg1[%get3A_2, %get3A_3] : memref<1024x512xbf16, #tpu.memory_space<vmem>>, vector<1024x512xbf16>
    %dot_general3A = arith.constant dense<0.000000e+00> : vector<2048x1024xf32>
    %dot_general3A_5 = tpu.matmul %convert_element_type3A, %get3A_4, %dot_general3A {dimension_numbers = #tpu.dot_dimension_numbers<[1], [1], [0], [0], [0, 0, 1, 0], [], []>, transpose_lhs_hint = false} : vector<2048x512xbf16>, vector<1024x512xbf16>, vector<2048x1024xf32> -> vector<2048x1024xf32>
    %get3A_6 = arith.constant 0 : index
    %get3A_7 = arith.constant 0 : index
    %get3A_8 = vector.load %arg3[%get3A_6, %get3A_7] : memref<1x2048xf32, #tpu.memory_space<vmem>>, vector<1x2048xf32>
    %transpose3A = tpu.transpose %get3A_8, [1, 0] : vector<1x2048xf32> -> vector<2048x1xf32>
    %add3A = vector.broadcast %transpose3A : vector<2048x1xf32> to vector<2048x1024xf32>
    %add3A_9 = arith.addf %dot_general3A_5, %add3A : vector<2048x1024xf32>
    %swap3A = arith.constant 0 : index
    %swap3A_10 = arith.constant 0 : index
    %swap3A_11 = vector.load %arg4[%swap3A, %swap3A_10] : memref<2048x1024xf32, #tpu.memory_space<vmem>>, vector<2048x1024xf32>
    tpu.vector_store %arg4[%swap3A, %swap3A_10], %add3A_9 {strides = array<i32>} : memref<2048x1024xf32, #tpu.memory_space<vmem>>, vector<2048x1024xf32>,
    return
  }
  func.func @transform_0(%arg0: i32) -> (i32, i32) {
    %c0_i32 = arith.constant 0 : i32
    %c0_i32_0 = arith.constant 0 : i32
    %c0_i32_1 = arith.constant 0 : i32
    return %c0_i32, %c0_i32_0 : i32, i32
  }
  func.func @transform_1(%arg0: i32) -> (i32, i32) {
    %c0_i32 = arith.constant 0 : i32
    %c0_i32_0 = arith.constant 0 : i32
    return %arg0, %c0_i32 : i32, i32
  }
  func.func @transform_2(%arg0: i32) -> (i32, i32) {
    %c0_i32 = arith.constant 0 : i32
    %c0_i32_0 = arith.constant 0 : i32
    return %c0_i32, %arg0 : i32, i32
  }
  func.func @transform_3(%arg0: i32) -> (i32, i32) {
    %c0_i32 = arith.constant 0 : i32
    %c0_i32_0 = arith.constant 0 : i32
    return %arg0, %c0_i32 : i32, i32
  }
}

module attributes {stable_mosaic.version = 14 : i64} {
  func.func @_l1_body(%arg0: memref<20x1024x256xf32, #tpu.memory_space<vmem>>, %arg1: memref<512x5120xf32, #tpu.memory_space<vmem>>, %arg2: memref<1x512xf32, #tpu.memory_space<vmem>>, %arg3: memref<1024x512xbf16, #tpu.memory_space<vmem>>) attributes {dimension_semantics = [], scalar_prefetch = 0 : i64, scratch_operands = 0 : i64, tpu.core_type = #tpu.core_type<tc>} {
    %get3A = arith.constant 0 : index
    %get3A_0 = arith.constant 0 : index
    %get3A_1 = vector.load %arg2[%get3A, %get3A_0] : memref<1x512xf32, #tpu.memory_space<vmem>>, vector<1x512xf32>
    %broadcast_in_dim3A = vector.shape_cast %get3A_1 : vector<1x512xf32> to vector<1x512xf32>
    %broadcast_in_dim3A_2 = vector.broadcast %broadcast_in_dim3A : vector<1x512xf32> to vector<1024x512xf32>
    %get3A_3 = arith.constant 0 : index
    %get3A_4 = arith.constant 0 : index
    %get3A_5 = arith.constant 0 : index
    %get3A_6 = vector.load %arg0[%get3A_3, %get3A_4, %get3A_5] : memref<20x1024x256xf32, #tpu.memory_space<vmem>>, vector<1x1024x256xf32>
    %get3A_7 = vector.shape_cast %get3A_6 : vector<1x1024x256xf32> to vector<1024x256xf32>
    %get3A_8 = arith.constant 0 : index
    %get3A_9 = arith.constant 0 : index
    %get3A_10 = vector.load %arg1[%get3A_8, %get3A_9] : memref<512x5120xf32, #tpu.memory_space<vmem>>, vector<512x256xf32>
    %dot_general3A = arith.constant dense<0.000000e+00> : vector<1024x512xf32>
    %dot_general3A_11 = tpu.matmul %get3A_7, %get3A_10, %dot_general3A {dimension_numbers = #tpu.dot_dimension_numbers<[1], [1], [0], [0], [0, 0, 1, 0], [], []>, transpose_lhs_hint = false} : vector<1024x256xf32>, vector<512x256xf32>, vector<1024x512xf32> -> vector<1024x512xf32>
    %add3A = arith.addf %broadcast_in_dim3A_2, %dot_general3A_11 : vector<1024x512xf32>
    %get3A_12 = arith.constant 1 : index
    %get3A_13 = arith.constant 0 : index
    %get3A_14 = arith.constant 0 : index
    %get3A_15 = vector.load %arg0[%get3A_12, %get3A_13, %get3A_14] : memref<20x1024x256xf32, #tpu.memory_space<vmem>>, vector<1x1024x256xf32>
    %get3A_16 = vector.shape_cast %get3A_15 : vector<1x1024x256xf32> to vector<1024x256xf32>
    %get3A_17 = arith.constant 0 : index
    %get3A_18 = arith.constant 256 : index
    %get3A_19 = vector.load %arg1[%get3A_17, %get3A_18] : memref<512x5120xf32, #tpu.memory_space<vmem>>, vector<512x256xf32>
    %dot_general3A_20 = arith.constant dense<0.000000e+00> : vector<1024x512xf32>
    %dot_general3A_21 = tpu.matmul %get3A_16, %get3A_19, %dot_general3A_20 {dimension_numbers = #tpu.dot_dimension_numbers<[1], [1], [0], [0], [0, 0, 1, 0], [], []>, transpose_lhs_hint = false} : vector<1024x256xf32>, vector<512x256xf32>, vector<1024x512xf32> -> vector<1024x512xf32>
    %add3A_22 = arith.addf %add3A, %dot_general3A_21 : vector<1024x512xf32>
    %get3A_23 = arith.constant 2 : index
    %get3A_24 = arith.constant 0 : index
    %get3A_25 = arith.constant 0 : index
    %get3A_26 = vector.load %arg0[%get3A_23, %get3A_24, %get3A_25] : memref<20x1024x256xf32, #tpu.memory_space<vmem>>, vector<1x1024x256xf32>
    %get3A_27 = vector.shape_cast %get3A_26 : vector<1x1024x256xf32> to vector<1024x256xf32>
    %get3A_28 = arith.constant 0 : index
    %get3A_29 = arith.constant 512 : index
    %get3A_30 = vector.load %arg1[%get3A_28, %get3A_29] : memref<512x5120xf32, #tpu.memory_space<vmem>>, vector<512x256xf32>
    %dot_general3A_31 = arith.constant dense<0.000000e+00> : vector<1024x512xf32>
    %dot_general3A_32 = tpu.matmul %get3A_27, %get3A_30, %dot_general3A_31 {dimension_numbers = #tpu.dot_dimension_numbers<[1], [1], [0], [0], [0, 0, 1, 0], [], []>, transpose_lhs_hint = false} : vector<1024x256xf32>, vector<512x256xf32>, vector<1024x512xf32> -> vector<1024x512xf32>
    %add3A_33 = arith.addf %add3A_22, %dot_general3A_32 : vector<1024x512xf32>
    %get3A_34 = arith.constant 3 : index
    %get3A_35 = arith.constant 0 : index
    %get3A_36 = arith.constant 0 : index
    %get3A_37 = vector.load %arg0[%get3A_34, %get3A_35, %get3A_36] : memref<20x1024x256xf32, #tpu.memory_space<vmem>>, vector<1x1024x256xf32>
    %get3A_38 = vector.shape_cast %get3A_37 : vector<1x1024x256xf32> to vector<1024x256xf32>
    %get3A_39 = arith.constant 0 : index
    %get3A_40 = arith.constant 768 : index
    %get3A_41 = vector.load %arg1[%get3A_39, %get3A_40] : memref<512x5120xf32, #tpu.memory_space<vmem>>, vector<512x256xf32>
    %dot_general3A_42 = arith.constant dense<0.000000e+00> : vector<1024x512xf32>
    %dot_general3A_43 = tpu.matmul %get3A_38, %get3A_41, %dot_general3A_42 {dimension_numbers = #tpu.dot_dimension_numbers<[1], [1], [0], [0], [0, 0, 1, 0], [], []>, transpose_lhs_hint = false} : vector<1024x256xf32>, vector<512x256xf32>, vector<1024x512xf32> -> vector<1024x512xf32>
    %add3A_44 = arith.addf %add3A_33, %dot_general3A_43 : vector<1024x512xf32>
    %get3A_45 = arith.constant 4 : index
    %get3A_46 = arith.constant 0 : index
    %get3A_47 = arith.constant 0 : index
    %get3A_48 = vector.load %arg0[%get3A_45, %get3A_46, %get3A_47] : memref<20x1024x256xf32, #tpu.memory_space<vmem>>, vector<1x1024x256xf32>
    %get3A_49 = vector.shape_cast %get3A_48 : vector<1x1024x256xf32> to vector<1024x256xf32>
    %get3A_50 = arith.constant 0 : index
    %get3A_51 = arith.constant 1024 : index
    %get3A_52 = vector.load %arg1[%get3A_50, %get3A_51] : memref<512x5120xf32, #tpu.memory_space<vmem>>, vector<512x256xf32>
    %dot_general3A_53 = arith.constant dense<0.000000e+00> : vector<1024x512xf32>
    %dot_general3A_54 = tpu.matmul %get3A_49, %get3A_52, %dot_general3A_53 {dimension_numbers = #tpu.dot_dimension_numbers<[1], [1], [0], [0], [0, 0, 1, 0], [], []>, transpose_lhs_hint = false} : vector<1024x256xf32>, vector<512x256xf32>, vector<1024x512xf32> -> vector<1024x512xf32>
    %add3A_55 = arith.addf %add3A_44, %dot_general3A_54 : vector<1024x512xf32>
    %get3A_56 = arith.constant 5 : index
    %get3A_57 = arith.constant 0 : index
    %get3A_58 = arith.constant 0 : index
    %get3A_59 = vector.load %arg0[%get3A_56, %get3A_57, %get3A_58] : memref<20x1024x256xf32, #tpu.memory_space<vmem>>, vector<1x1024x256xf32>
    %get3A_60 = vector.shape_cast %get3A_59 : vector<1x1024x256xf32> to vector<1024x256xf32>
    %get3A_61 = arith.constant 0 : index
    %get3A_62 = arith.constant 1280 : index
    %get3A_63 = vector.load %arg1[%get3A_61, %get3A_62] : memref<512x5120xf32, #tpu.memory_space<vmem>>, vector<512x256xf32>
    %dot_general3A_64 = arith.constant dense<0.000000e+00> : vector<1024x512xf32>
    %dot_general3A_65 = tpu.matmul %get3A_60, %get3A_63, %dot_general3A_64 {dimension_numbers = #tpu.dot_dimension_numbers<[1], [1], [0], [0], [0, 0, 1, 0], [], []>, transpose_lhs_hint = false} : vector<1024x256xf32>, vector<512x256xf32>, vector<1024x512xf32> -> vector<1024x512xf32>
    %add3A_66 = arith.addf %add3A_55, %dot_general3A_65 : vector<1024x512xf32>
    %get3A_67 = arith.constant 6 : index
    %get3A_68 = arith.constant 0 : index
    %get3A_69 = arith.constant 0 : index
    %get3A_70 = vector.load %arg0[%get3A_67, %get3A_68, %get3A_69] : memref<20x1024x256xf32, #tpu.memory_space<vmem>>, vector<1x1024x256xf32>
    %get3A_71 = vector.shape_cast %get3A_70 : vector<1x1024x256xf32> to vector<1024x256xf32>
    %get3A_72 = arith.constant 0 : index
    %get3A_73 = arith.constant 1536 : index
    %get3A_74 = vector.load %arg1[%get3A_72, %get3A_73] : memref<512x5120xf32, #tpu.memory_space<vmem>>, vector<512x256xf32>
    %dot_general3A_75 = arith.constant dense<0.000000e+00> : vector<1024x512xf32>
    %dot_general3A_76 = tpu.matmul %get3A_71, %get3A_74, %dot_general3A_75 {dimension_numbers = #tpu.dot_dimension_numbers<[1], [1], [0], [0], [0, 0, 1, 0], [], []>, transpose_lhs_hint = false} : vector<1024x256xf32>, vector<512x256xf32>, vector<1024x512xf32> -> vector<1024x512xf32>
    %add3A_77 = arith.addf %add3A_66, %dot_general3A_76 : vector<1024x512xf32>
    %get3A_78 = arith.constant 7 : index
    %get3A_79 = arith.constant 0 : index
    %get3A_80 = arith.constant 0 : index
    %get3A_81 = vector.load %arg0[%get3A_78, %get3A_79, %get3A_80] : memref<20x1024x256xf32, #tpu.memory_space<vmem>>, vector<1x1024x256xf32>
    %get3A_82 = vector.shape_cast %get3A_81 : vector<1x1024x256xf32> to vector<1024x256xf32>
    %get3A_83 = arith.constant 0 : index
    %get3A_84 = arith.constant 1792 : index
    %get3A_85 = vector.load %arg1[%get3A_83, %get3A_84] : memref<512x5120xf32, #tpu.memory_space<vmem>>, vector<512x256xf32>
    %dot_general3A_86 = arith.constant dense<0.000000e+00> : vector<1024x512xf32>
    %dot_general3A_87 = tpu.matmul %get3A_82, %get3A_85, %dot_general3A_86 {dimension_numbers = #tpu.dot_dimension_numbers<[1], [1], [0], [0], [0, 0, 1, 0], [], []>, transpose_lhs_hint = false} : vector<1024x256xf32>, vector<512x256xf32>, vector<1024x512xf32> -> vector<1024x512xf32>
    %add3A_88 = arith.addf %add3A_77, %dot_general3A_87 : vector<1024x512xf32>
    %get3A_89 = arith.constant 8 : index
    %get3A_90 = arith.constant 0 : index
    %get3A_91 = arith.constant 0 : index
    %get3A_92 = vector.load %arg0[%get3A_89, %get3A_90, %get3A_91] : memref<20x1024x256xf32, #tpu.memory_space<vmem>>, vector<1x1024x256xf32>
    %get3A_93 = vector.shape_cast %get3A_92 : vector<1x1024x256xf32> to vector<1024x256xf32>
    %get3A_94 = arith.constant 0 : index
    %get3A_95 = arith.constant 2048 : index
    %get3A_96 = vector.load %arg1[%get3A_94, %get3A_95] : memref<512x5120xf32, #tpu.memory_space<vmem>>, vector<512x256xf32>
    %dot_general3A_97 = arith.constant dense<0.000000e+00> : vector<1024x512xf32>
    %dot_general3A_98 = tpu.matmul %get3A_93, %get3A_96, %dot_general3A_97 {dimension_numbers = #tpu.dot_dimension_numbers<[1], [1], [0], [0], [0, 0, 1, 0], [], []>, transpose_lhs_hint = false} : vector<1024x256xf32>, vector<512x256xf32>, vector<1024x512xf32> -> vector<1024x512xf32>
    %add3A_99 = arith.addf %add3A_88, %dot_general3A_98 : vector<1024x512xf32>
    %get3A_100 = arith.constant 9 : index
    %get3A_101 = arith.constant 0 : index
    %get3A_102 = arith.constant 0 : index
    %get3A_103 = vector.load %arg0[%get3A_100, %get3A_101, %get3A_102] : memref<20x1024x256xf32, #tpu.memory_space<vmem>>, vector<1x1024x256xf32>
    %get3A_104 = vector.shape_cast %get3A_103 : vector<1x1024x256xf32> to vector<1024x256xf32>
    %get3A_105 = arith.constant 0 : index
    %get3A_106 = arith.constant 2304 : index
    %get3A_107 = vector.load %arg1[%get3A_105, %get3A_106] : memref<512x5120xf32, #tpu.memory_space<vmem>>, vector<512x256xf32>
    %dot_general3A_108 = arith.constant dense<0.000000e+00> : vector<1024x512xf32>
    %dot_general3A_109 = tpu.matmul %get3A_104, %get3A_107, %dot_general3A_108 {dimension_numbers = #tpu.dot_dimension_numbers<[1], [1], [0], [0], [0, 0, 1, 0], [], []>, transpose_lhs_hint = false} : vector<1024x256xf32>, vector<512x256xf32>, vector<1024x512xf32> -> vector<1024x512xf32>
    %add3A_110 = arith.addf %add3A_99, %dot_general3A_109 : vector<1024x512xf32>
    %get3A_111 = arith.constant 10 : index
    %get3A_112 = arith.constant 0 : index
    %get3A_113 = arith.constant 0 : index
    %get3A_114 = vector.load %arg0[%get3A_111, %get3A_112, %get3A_113] : memref<20x1024x256xf32, #tpu.memory_space<vmem>>, vector<1x1024x256xf32>
    %get3A_115 = vector.shape_cast %get3A_114 : vector<1x1024x256xf32> to vector<1024x256xf32>
    %get3A_116 = arith.constant 0 : index
    %get3A_117 = arith.constant 2560 : index
    %get3A_118 = vector.load %arg1[%get3A_116, %get3A_117] : memref<512x5120xf32, #tpu.memory_space<vmem>>, vector<512x256xf32>
    %dot_general3A_119 = arith.constant dense<0.000000e+00> : vector<1024x512xf32>
    %dot_general3A_120 = tpu.matmul %get3A_115, %get3A_118, %dot_general3A_119 {dimension_numbers = #tpu.dot_dimension_numbers<[1], [1], [0], [0], [0, 0, 1, 0], [], []>, transpose_lhs_hint = false} : vector<1024x256xf32>, vector<512x256xf32>, vector<1024x512xf32> -> vector<1024x512xf32>
    %add3A_121 = arith.addf %add3A_110, %dot_general3A_120 : vector<1024x512xf32>
    %get3A_122 = arith.constant 11 : index
    %get3A_123 = arith.constant 0 : index
    %get3A_124 = arith.constant 0 : index
    %get3A_125 = vector.load %arg0[%get3A_122, %get3A_123, %get3A_124] : memref<20x1024x256xf32, #tpu.memory_space<vmem>>, vector<1x1024x256xf32>
    %get3A_126 = vector.shape_cast %get3A_125 : vector<1x1024x256xf32> to vector<1024x256xf32>
    %get3A_127 = arith.constant 0 : index
    %get3A_128 = arith.constant 2816 : index
    %get3A_129 = vector.load %arg1[%get3A_127, %get3A_128] : memref<512x5120xf32, #tpu.memory_space<vmem>>, vector<512x256xf32>
    %dot_general3A_130 = arith.constant dense<0.000000e+00> : vector<1024x512xf32>
    %dot_general3A_131 = tpu.matmul %get3A_126, %get3A_129, %dot_general3A_130 {dimension_numbers = #tpu.dot_dimension_numbers<[1], [1], [0], [0], [0, 0, 1, 0], [], []>, transpose_lhs_hint = false} : vector<1024x256xf32>, vector<512x256xf32>, vector<1024x512xf32> -> vector<1024x512xf32>
    %add3A_132 = arith.addf %add3A_121, %dot_general3A_131 : vector<1024x512xf32>
    %get3A_133 = arith.constant 12 : index
    %get3A_134 = arith.constant 0 : index
    %get3A_135 = arith.constant 0 : index
    %get3A_136 = vector.load %arg0[%get3A_133, %get3A_134, %get3A_135] : memref<20x1024x256xf32, #tpu.memory_space<vmem>>, vector<1x1024x256xf32>
    %get3A_137 = vector.shape_cast %get3A_136 : vector<1x1024x256xf32> to vector<1024x256xf32>
    %get3A_138 = arith.constant 0 : index
    %get3A_139 = arith.constant 3072 : index
    %get3A_140 = vector.load %arg1[%get3A_138, %get3A_139] : memref<512x5120xf32, #tpu.memory_space<vmem>>, vector<512x256xf32>
    %dot_general3A_141 = arith.constant dense<0.000000e+00> : vector<1024x512xf32>
    %dot_general3A_142 = tpu.matmul %get3A_137, %get3A_140, %dot_general3A_141 {dimension_numbers = #tpu.dot_dimension_numbers<[1], [1], [0], [0], [0, 0, 1, 0], [], []>, transpose_lhs_hint = false} : vector<1024x256xf32>, vector<512x256xf32>, vector<1024x512xf32> -> vector<1024x512xf32>
    %add3A_143 = arith.addf %add3A_132, %dot_general3A_142 : vector<1024x512xf32>
    %get3A_144 = arith.constant 13 : index
    %get3A_145 = arith.constant 0 : index
    %get3A_146 = arith.constant 0 : index
    %get3A_147 = vector.load %arg0[%get3A_144, %get3A_145, %get3A_146] : memref<20x1024x256xf32, #tpu.memory_space<vmem>>, vector<1x1024x256xf32>
    %get3A_148 = vector.shape_cast %get3A_147 : vector<1x1024x256xf32> to vector<1024x256xf32>
    %get3A_149 = arith.constant 0 : index
    %get3A_150 = arith.constant 3328 : index
    %get3A_151 = vector.load %arg1[%get3A_149, %get3A_150] : memref<512x5120xf32, #tpu.memory_space<vmem>>, vector<512x256xf32>
    %dot_general3A_152 = arith.constant dense<0.000000e+00> : vector<1024x512xf32>
    %dot_general3A_153 = tpu.matmul %get3A_148, %get3A_151, %dot_general3A_152 {dimension_numbers = #tpu.dot_dimension_numbers<[1], [1], [0], [0], [0, 0, 1, 0], [], []>, transpose_lhs_hint = false} : vector<1024x256xf32>, vector<512x256xf32>, vector<1024x512xf32> -> vector<1024x512xf32>
    %add3A_154 = arith.addf %add3A_143, %dot_general3A_153 : vector<1024x512xf32>
    %get3A_155 = arith.constant 14 : index
    %get3A_156 = arith.constant 0 : index
    %get3A_157 = arith.constant 0 : index
    %get3A_158 = vector.load %arg0[%get3A_155, %get3A_156, %get3A_157] : memref<20x1024x256xf32, #tpu.memory_space<vmem>>, vector<1x1024x256xf32>
    %get3A_159 = vector.shape_cast %get3A_158 : vector<1x1024x256xf32> to vector<1024x256xf32>
    %get3A_160 = arith.constant 0 : index
    %get3A_161 = arith.constant 3584 : index
    %get3A_162 = vector.load %arg1[%get3A_160, %get3A_161] : memref<512x5120xf32, #tpu.memory_space<vmem>>, vector<512x256xf32>
    %dot_general3A_163 = arith.constant dense<0.000000e+00> : vector<1024x512xf32>
    %dot_general3A_164 = tpu.matmul %get3A_159, %get3A_162, %dot_general3A_163 {dimension_numbers = #tpu.dot_dimension_numbers<[1], [1], [0], [0], [0, 0, 1, 0], [], []>, transpose_lhs_hint = false} : vector<1024x256xf32>, vector<512x256xf32>, vector<1024x512xf32> -> vector<1024x512xf32>
    %add3A_165 = arith.addf %add3A_154, %dot_general3A_164 : vector<1024x512xf32>
    %get3A_166 = arith.constant 15 : index
    %get3A_167 = arith.constant 0 : index
    %get3A_168 = arith.constant 0 : index
    %get3A_169 = vector.load %arg0[%get3A_166, %get3A_167, %get3A_168] : memref<20x1024x256xf32, #tpu.memory_space<vmem>>, vector<1x1024x256xf32>
    %get3A_170 = vector.shape_cast %get3A_169 : vector<1x1024x256xf32> to vector<1024x256xf32>
    %get3A_171 = arith.constant 0 : index
    %get3A_172 = arith.constant 3840 : index
    %get3A_173 = vector.load %arg1[%get3A_171, %get3A_172] : memref<512x5120xf32, #tpu.memory_space<vmem>>, vector<512x256xf32>
    %dot_general3A_174 = arith.constant dense<0.000000e+00> : vector<1024x512xf32>
    %dot_general3A_175 = tpu.matmul %get3A_170, %get3A_173, %dot_general3A_174 {dimension_numbers = #tpu.dot_dimension_numbers<[1], [1], [0], [0], [0, 0, 1, 0], [], []>, transpose_lhs_hint = false} : vector<1024x256xf32>, vector<512x256xf32>, vector<1024x512xf32> -> vector<1024x512xf32>
    %add3A_176 = arith.addf %add3A_165, %dot_general3A_175 : vector<1024x512xf32>
    %get3A_177 = arith.constant 16 : index
    %get3A_178 = arith.constant 0 : index
    %get3A_179 = arith.constant 0 : index
    %get3A_180 = vector.load %arg0[%get3A_177, %get3A_178, %get3A_179] : memref<20x1024x256xf32, #tpu.memory_space<vmem>>, vector<1x1024x256xf32>
    %get3A_181 = vector.shape_cast %get3A_180 : vector<1x1024x256xf32> to vector<1024x256xf32>
    %get3A_182 = arith.constant 0 : index
    %get3A_183 = arith.constant 4096 : index
    %get3A_184 = vector.load %arg1[%get3A_182, %get3A_183] : memref<512x5120xf32, #tpu.memory_space<vmem>>, vector<512x256xf32>
    %dot_general3A_185 = arith.constant dense<0.000000e+00> : vector<1024x512xf32>
    %dot_general3A_186 = tpu.matmul %get3A_181, %get3A_184, %dot_general3A_185 {dimension_numbers = #tpu.dot_dimension_numbers<[1], [1], [0], [0], [0, 0, 1, 0], [], []>, transpose_lhs_hint = false} : vector<1024x256xf32>, vector<512x256xf32>, vector<1024x512xf32> -> vector<1024x512xf32>
    %add3A_187 = arith.addf %add3A_176, %dot_general3A_186 : vector<1024x512xf32>
    %get3A_188 = arith.constant 17 : index
    %get3A_189 = arith.constant 0 : index
    %get3A_190 = arith.constant 0 : index
    %get3A_191 = vector.load %arg0[%get3A_188, %get3A_189, %get3A_190] : memref<20x1024x256xf32, #tpu.memory_space<vmem>>, vector<1x1024x256xf32>
    %get3A_192 = vector.shape_cast %get3A_191 : vector<1x1024x256xf32> to vector<1024x256xf32>
    %get3A_193 = arith.constant 0 : index
    %get3A_194 = arith.constant 4352 : index
    %get3A_195 = vector.load %arg1[%get3A_193, %get3A_194] : memref<512x5120xf32, #tpu.memory_space<vmem>>, vector<512x256xf32>
    %dot_general3A_196 = arith.constant dense<0.000000e+00> : vector<1024x512xf32>
    %dot_general3A_197 = tpu.matmul %get3A_192, %get3A_195, %dot_general3A_196 {dimension_numbers = #tpu.dot_dimension_numbers<[1], [1], [0], [0], [0, 0, 1, 0], [], []>, transpose_lhs_hint = false} : vector<1024x256xf32>, vector<512x256xf32>, vector<1024x512xf32> -> vector<1024x512xf32>
    %add3A_198 = arith.addf %add3A_187, %dot_general3A_197 : vector<1024x512xf32>
    %get3A_199 = arith.constant 18 : index
    %get3A_200 = arith.constant 0 : index
    %get3A_201 = arith.constant 0 : index
    %get3A_202 = vector.load %arg0[%get3A_199, %get3A_200, %get3A_201] : memref<20x1024x256xf32, #tpu.memory_space<vmem>>, vector<1x1024x256xf32>
    %get3A_203 = vector.shape_cast %get3A_202 : vector<1x1024x256xf32> to vector<1024x256xf32>
    %get3A_204 = arith.constant 0 : index
    %get3A_205 = arith.constant 4608 : index
    %get3A_206 = vector.load %arg1[%get3A_204, %get3A_205] : memref<512x5120xf32, #tpu.memory_space<vmem>>, vector<512x256xf32>
    %dot_general3A_207 = arith.constant dense<0.000000e+00> : vector<1024x512xf32>
    %dot_general3A_208 = tpu.matmul %get3A_203, %get3A_206, %dot_general3A_207 {dimension_numbers = #tpu.dot_dimension_numbers<[1], [1], [0], [0], [0, 0, 1, 0], [], []>, transpose_lhs_hint = false} : vector<1024x256xf32>, vector<512x256xf32>, vector<1024x512xf32> -> vector<1024x512xf32>
    %add3A_209 = arith.addf %add3A_198, %dot_general3A_208 : vector<1024x512xf32>
    %get3A_210 = arith.constant 19 : index
    %get3A_211 = arith.constant 0 : index
    %get3A_212 = arith.constant 0 : index
    %get3A_213 = vector.load %arg0[%get3A_210, %get3A_211, %get3A_212] : memref<20x1024x256xf32, #tpu.memory_space<vmem>>, vector<1x1024x256xf32>
    %get3A_214 = vector.shape_cast %get3A_213 : vector<1x1024x256xf32> to vector<1024x256xf32>
    %get3A_215 = arith.constant 0 : index
    %get3A_216 = arith.constant 4864 : index
    %get3A_217 = vector.load %arg1[%get3A_215, %get3A_216] : memref<512x5120xf32, #tpu.memory_space<vmem>>, vector<512x256xf32>
    %dot_general3A_218 = arith.constant dense<0.000000e+00> : vector<1024x512xf32>
    %dot_general3A_219 = tpu.matmul %get3A_214, %get3A_217, %dot_general3A_218 {dimension_numbers = #tpu.dot_dimension_numbers<[1], [1], [0], [0], [0, 0, 1, 0], [], []>, transpose_lhs_hint = false} : vector<1024x256xf32>, vector<512x256xf32>, vector<1024x512xf32> -> vector<1024x512xf32>
    %add3A_220 = arith.addf %add3A_209, %dot_general3A_219 : vector<1024x512xf32>
    %max3A = arith.constant 0.000000e+00 : f32
    %max3A_221 = vector.broadcast %max3A : f32 to vector<1024x512xf32>
    %max3A_222 = arith.maximumf %add3A_220, %max3A_221 : vector<1024x512xf32>
    %convert_element_type3A = arith.truncf %max3A_222 : vector<1024x512xf32> to vector<1024x512xbf16>
    %swap3A = arith.constant 0 : index
    %swap3A_223 = arith.constant 0 : index
    %swap3A_224 = vector.load %arg3[%swap3A, %swap3A_223] : memref<1024x512xbf16, #tpu.memory_space<vmem>>, vector<1024x512xbf16>
    tpu.vector_store %arg3[%swap3A, %swap3A_223], %convert_element_type3A {strides = array<i32>} : memref<1024x512xbf16, #tpu.memory_space<vmem>>, vector<1024x512xbf16>,
    return
  }
}

</mosaic_0001>

<sc_bundles>
// kernel: kernel.5.cloned.1.call-start
scs
__scs_entry_jumppad:
0x0: {  	(pc) =	sbr.rel $0x88, $3  }
0x1: {  	(tag) =	ssettag $0x0;
	lr =	simm.s32 $0x1  }
0x2: {  	[smem:$0x3F9B] =	sst lr;
	_ =	strace $0xD0000000  }
0x3: {  	_ = 	snop  }
0x4: {  	_ = 	snop  }
0x5: {  	_ = 	snop  }
0x6: {  	_ = 	snop  }
0x7: {  	_ = 	snop  }
__scs_overlays_trampoline_lowered:
0x8: {  	[smem:$0x3FAA] =	sst s0  }
0x9: {  	[smem:$0x3FAB] =	sst s1  }
0xa: {  	[smem:$0x3FAC] =	sst s2  }
0xb: {  	[smem:$0x3FAD] =	sst s3  }
0xc: {  	[smem:$0x3FAE] =	sst s4  }
0xd: {  	[smem:$0x3FAF] =	sst s5  }
0xe: {  	[smem:$0x3FB0] =	sst s6  }
0xf: {  	[smem:$0x3FB1] =	sst s7  }
0x10: {  	[smem:$0x3FB2] =	sst s8  }
0x11: {  	[smem:$0x3FB3] =	sst s9;
	s0 =	simm.s32 @!p0 $0x0  }
0x12: {  	s1 =	sld [smem:$0x3F99];
	s0 =	simm.s32 @p0 $0x1  }
0x13: {  	[smem:$0x3FB4] =	sst s0;
	s0 =	simm.s32 @!p1 $0x0  }
0x14: {  	s2 =	sld [smem:$0x3F98];
	s0 =	simm.s32 @p1 $0x1  }
0x15: {  	[smem:$0x3FB5] =	sst s0;
	s0 =	simm.s32 @!p2 $0x0  }
0x16: {  	s3 =	sld [smem:$0x3FDB];
	s0 =	simm.s32 @p2 $0x1  }
0x17: {  	s4 =	simm.s32 $0x1BF5;
	[smem:$0x3FB7] =	sst s0  }
0x18: {  	s0 =	sld [smem:$0x3F9A];
	_ =	swait.ge [sflag:s4], $0x0  }
0x19: {  	s7 =	sld [smem:$0x3F9B]  }
0x1a: {  	s8 =	sadd.s32 $0xFFFFE003, lr  }
0x1b: {  	s9 =	sadd.s32 $0xFFFFFEF7, lr;
	s5 =	simm.s32 $0xFFFFFFFF;
	p2 =	slt.u32 s8, $0xFFFFF086  }
0x1c: {  	p1 =	slt.u32 s9, $0xF7A;
	s5 =	simm.s32 @!p2 $0x0  }
0x1d: {  	s5 =	simm.s32 @p1 $0x1;
	p0 =	seq.s32 s7, s2  }
0x1e: {  	s7 =	smul.u32 @!p0 $0xF7A, s2;
	p2 =	seq.s32 @!p0 s5, $0x0  }
0x1f: {  	s9 =	smul.u32 $0xF7A, s1;
	s8 =	simm.s32 @!p0 $0x1BF5;
	p2 =	por !p2, p0  }
0x20: {  	[sflag:s8] =	ssyncset.s32 @!p0 $0xFFFFF086;
	s6 =	sadd.s32 @!p0 s3, s7;
	s7 =	simm.s32 @!p0 $0x108  }
0x21: {  	s3 =	sadd.s32 s3, s9;
	s6 =	sadd.s32 @!p0 $0x88, s6;
	s7 =	simm.s32 @p2 $0x1082  }
0x22: {  	[simem:s7], [sflag:s8] =	dma.local @!p0 [hbm:s6], $0xF7A  }
0x23: {  	s9 =	sor.u32 $0xD0000000, s2;
	s6 =	simm.s32 $0x108;
	_ =	swait.ge @!p0 [sflag:s8], $0x0  }
0x24: {  	s3 =	sadd.s32 $0x88, s3;
	s6 =	simm.s32 @!p1 $0x1082;
	[sflag:s4] =	ssyncset.s32 $0xFFFFF086  }
0x25: {  	[simem:s6], [sflag:s4] =	dma.local [hbm:s3], $0xF7A  }
0x26: {  	[smem:$0x3F9B] =	sst s1;
	(tag) =	ssettag s2;
	_ =	strace s9  }
0x27: {  	s1 =	sld [smem:$0x3FAB]  }
0x28: {  	s2 =	sld [smem:$0x3FAC]  }
0x29: {  	s4 =	sld [smem:$0x3FAE]  }
0x2a: {  	p0 =	seq.s32 s5, $0x0;
	s5 =	sld [smem:$0x3FAF]  }
0x2b: {  	s6 =	sld [smem:$0x3FB0]  }
0x2c: {  	s7 =	sld [smem:$0x3FB1]  }
0x2d: {  	s3 =	simm.s32 $0x108;
	s8 =	sld [smem:$0x3FB2]  }
0x2e: {  	s3 =	simm.s32 @!p0 $0x1082;
	s9 =	sld [smem:$0x3FB3]  }
0x2f: {  	lr =	sadd.s32 s0, s3;
	s0 =	sld [smem:$0x3FAA]  }
0x30: {  	s3 =	sld [smem:$0x3FAD]  }
0x31: {  	[smem:$0x3FB6] =	sst s10  }
0x32: {  	s10 =	sld [smem:$0x3FB4];
	_ =	sdelay $0x3  }
0x33: {  	p0 =	seq.s32 s10, $0x1;
	s10 =	sld [smem:$0x3FB6];
	_ =	sdelay $0x3  }
0x34: {  	[smem:$0x3FB6] =	sst s10  }
0x35: {  	s10 =	sld [smem:$0x3FB5];
	_ =	sdelay $0x3  }
0x36: {  	p1 =	seq.s32 s10, $0x1;
	s10 =	sld [smem:$0x3FB6];
	_ =	sdelay $0x3  }
0x37: {  	[smem:$0x3FB6] =	sst s10  }
0x38: {  	s10 =	sld [smem:$0x3FB7]  }
0x39: {  	_ = 	snop;
	(pc) =	sbr.ind lr, $3  }
0x3a: {  	_ = 	snop  }
0x3b: {  	_ = 	snop  }
0x3c: {  	p2 =	seq.s32 s10, $0x1;
	s10 =	sld [smem:$0x3FB6]  }
0x3d: {  	_ =	shalt  }
0x3e: {  	_ =	shalt  }
0x3f: {  	_ =	shalt  }
0x40: {  	_ =	shalt  }
0x41: {  	_ =	shalt  }
0x42: {  	_ =	shalt  }
0x43: {  	_ =	shalt  }
0x44: {  	_ =	shalt  }
0x45: {  	_ =	shalt  }
0x46: {  	_ =	shalt  }
0x47: {  	_ =	shalt  }
0x48: {  	_ =	shalt  }
0x49: {  	_ =	shalt  }
0x4a: {  	_ =	shalt  }
0x4b: {  	_ =	shalt  }
0x4c: {  	_ =	shalt  }
0x4d: {  	_ =	shalt  }
0x4e: {  	_ =	shalt  }
0x4f: {  	_ =	shalt  }
0x50: {  	_ =	shalt  }
0x51: {  	_ =	shalt  }
0x52: {  	_ =	shalt  }
0x53: {  	_ =	shalt  }
0x54: {  	_ =	shalt  }
0x55: {  	_ =	shalt  }
0x56: {  	_ =	shalt  }
0x57: {  	_ =	shalt  }
0x58: {  	_ =	shalt  }
0x59: {  	_ =	shalt  }
0x5a: {  	_ =	shalt  }
0x5b: {  	_ =	shalt  }
0x5c: {  	_ =	shalt  }
0x5d: {  	_ =	shalt  }
0x5e: {  	_ =	shalt  }
0x5f: {  	_ =	shalt  }
0x60: {  	_ =	shalt  }
0x61: {  	_ =	shalt  }
0x62: {  	_ =	shalt  }
0x63: {  	_ =	shalt  }
0x64: {  	_ =	shalt  }
0x65: {  	_ =	shalt  }
0x66: {  	_ =	shalt  }
0x67: {  	_ =	shalt  }
0x68: {  	_ =	shalt  }
0x69: {  	_ =	shalt  }
0x6a: {  	_ =	shalt  }
0x6b: {  	_ =	shalt  }
0x6c: {  	_ =	shalt  }
0x6d: {  	_ =	shalt  }
0x6e: {  	_ =	shalt  }
0x6f: {  	_ =	shalt  }
0x70: {  	_ =	shalt  }
0x71: {  	_ =	shalt  }
0x72: {  	_ =	shalt  }
0x73: {  	_ =	shalt  }
0x74: {  	_ =	shalt  }
0x75: {  	_ =	shalt  }
0x76: {  	_ =	shalt  }
0x77: {  	_ =	shalt  }
0x78: {  	_ =	shalt  }
0x79: {  	_ =	shalt  }
0x7a: {  	_ =	shalt  }
0x7b: {  	_ =	shalt  }
0x7c: {  	_ =	shalt  }
0x7d: {  	_ =	shalt  }
0x7e: {  	_ =	shalt  }
0x7f: {  	_ =	shalt  }
0x80: {  	_ =	shalt  }
0x81: {  	_ =	shalt  }
0x82: {  	_ =	shalt  }
0x83: {  	_ =	shalt  }
0x84: {  	_ =	shalt  }
0x85: {  	_ =	shalt  }
0x86: {  	_ =	shalt  }
0x87: {  	_ =	shalt  }
.Lfunc_end0:
.L_simem_size_0:
called_computation_lowered:
.L_overlay_start_0:
0x88: {  	s2 =	sld [smem:$0x3FD9]  }
0x89: {  	s3 =	sld [smem:$0x3FFE];
	_ =	sdelay $0x1  }
0x8a: {  	s1 =	srdreg.scid  }
0x8b: {  	s0 =	sand.u32 $0x1, s1  }
0x8c: {  	s17 =	sshll.u32 s0, $0xA;
	s2 =	sadd.s32 s3, s2  }
0x8d: {  	s2 =	sadd.s32 s2, s17  }
0x8e: {  	[smem:$0x3FC2] =	sst s2  }
0x8f: {  	_ = 	snop  }
0x90: {  	s2 =	sld [smem:$0x3FC8]  }
0x91: {  	s18 =	sld [smem:$0x3FD0];
	(tm) =	ssettm $0x1  }
0x92: {  	s4 =	sld [smem:$0x3FFB];
	_ =	sdelay $0x3  }
0x93: {  	_ =	strace s4  }
0x94: {  	s4 =	sld [smem:$0x3FFC];
	_ =	sdelay $0x3  }
0x95: {  	_ =	strace s4  }
0x96: {  	s4 =	sld [smem:$0x3FFD];
	_ =	sdelay $0x3  }
0x97: {  	_ =	strace s4  }
0x98: {  	_ =	strace $0x8FFFFFFF  }
0x99: {  	s19 =	sld [smem:$0x3FDB];
	_ =	sdelay $0x1  }
0x9a: {  	s5 =	simm.s32 $_scs_section_size  }
0x9b: {  	s6 =	simm.s32 $_size__tile_overlayer_lowered;
	s7 =	simm.s32 $_tile_overlayer_lowered  }
0x9c: {  	s22 =	simm.s32 $0x1BFF;
	s21 =	sshll.u32 s7, $0x1;
	s4 =	sadd.s32 s5, s19  }
0x9d: {  	s8 =	simm.s32 $0x0;
	s20 =	sshll.u32 s6, $0x1;
	s6 =	sadd.s32 s21, s4  }
0x9e: {  	[timem:s8], [sflag:s22] =	dma.local [hbm:s6], s20  }
0x9f: {  	_ =	swait.ge [sflag:s22], s20  }
0xa0: {  	s5 =	ssub.s32 $0x0, s20;
	[sflag:s22] =	ssyncset.done $0x0  }
0xa1: {  	[sflag:s22] =	ssyncadd.s32 s5;
	_ =	sdelay $0x1  }
0xa2: {  	s23 =	simm.s32 $0x1B8B  }
0xa3: {  	_ =	swait.ge [sflag:s23], $0x1  }
0xa4: {  	[sflag:s23] =	ssyncset.done $0x0  }
0xa5: {  	s25 =	simm.s32 $0x1B8E;
	s24 =	sld [smem:$0x3FFE];
	[sflag:s23] =	ssyncadd.s32 $0xFFFFFFFF  }
0xa6: {  	s26 =	simm.s32 $execute0_lowered;
	[smem:$0x3FD2] =	sst s25  }
0xa7: {  	s6 =	sshll.u32 s26, $0x1;
	_ =	strace $0x80000046;
	[dreg:$0x1] =	wrdreg $0xFFFFFFFF  }
0xa8: {  	s28 =	simm.s32 $_size_execute0_lowered;
	s4 =	sadd.s32 s4, s6;
	[dreg:$0x0] =	wrdreg $0x0  }
0xa9: {  	s6 =	sshll.u32 s28, $0x1;
	[dreg:$0x2] =	wrdreg s4  }
0xaa: {  	[dreg:$0x3] =	wrdreg s6  }
0xab: {  	[dreg:$0x4] =	wrdreg $0xC0  }
0xac: {  	_ =	task [dreg:s8], $0x5FFFF  }
0xad: {  	[dreg:$0x1] =	wrdreg $0xFFFFFFFF  }
0xae: {  	[dreg:$0x0] =	wrdreg $0x60  }
0xaf: {  	[dreg:$0x2] =	wrdreg s2  }
0xb0: {  	[dreg:$0x3] =	wrdreg s24  }
0xb1: {  	[dreg:$0x4] =	wrdreg s18  }
0xb2: {  	[dreg:$0x5] =	wrdreg $0x9  }
0xb3: {  	_ =	task.clear_ibuf [dreg:s8], $0x6FFFF;
	_ =	strace $0x90000046  }
0xb4: {  	s29 =	simm.s32 $0x9;
	_ =	strace $0x80000048  }
0xb5: {  	_ =	swait.ge [sflag:s29], $0x1  }
0xb6: {  	[sflag:s29] =	ssyncadd.s32 $0xFFFFFFFF  }
0xb7: {  	_ =	strace $0x90000048  }
0xb8: {  	_ =	sfence  }
0xb9: {  	s30 =	sld [smem:$0x0];
	_ =	sdelay $0x2  }
0xba: {  	s31 =	sshll.u32 s1, $0xD;
	s1 =	sshrl.u32 s1, $0x2  }
0xbb: {  	s3 =	sand.u32 $0x4000, s31;
	s1 =	sadd.s32 s1, s30  }
0xbc: {  	s0 =	sor.u32 s3, s0;
	s1 =	sshll.u32 s1, $0x11  }
0xbd: {  	s0 =	sor.u32 s1, s0  }
0xbe: {  	s0 =	sadd.s32 $0x8F2B, s0  }
0xbf: {  	[sflag:s0] =	ssyncadd.remote.s32 $0x1  }
0xc0: {  	_ =	sfence.sel $0xFFFF  }
0xc1: {  	[dreg:$0x0] =	wrdreg $0xFFFFFFFF;
	(pc) =	sbr.abs _section_cstart, $3  }
0xc2: {  	[dreg:$0x1] =	wrdreg $0xFFFFFFFF  }
0xc3: {  	_ =	task.clear_ibuf [dreg:s8], $0x2FFFF;
	_ =	strace $0x9FFFFFFF  }
0xc4: {  	(tm) =	ssettm $0x7FFFFFFF  }
0xc5: {  	_ =	shalt  }
tec
execute0_lowered:
.L_overlay_start_1:
0x0: {  	(tag) =	ssettag $0x1  }
0x1: {  	s1 =	rddreg [dreg:$0x0]  }
0x2: {  	s0 =	rddreg [dreg:$0x1];
	s2 =	srdreg.scid  }
0x3: {  	s3 =	stileid.u32;
	s4 =	rddreg [dreg:$0x2]  }
0x4: {  	s20 =	simm.s32 $0x1;
	s22 =	simm.s32 $0xA80;
	s23 =	simm.s32 $0x1280  }
0x5: {  	s28 =	simm.s32 $0x3280;
	s29 =	simm.s32 $0x3A80;
	s30 =	simm.s32 $0x4280  }
0x6: {  	s31 =	simm.s32 $0x4A80;
	s8 =	simm.s32 $0x6A80;
	s9 =	simm.s32 $0x7280  }
0x7: {  	s10 =	simm.s32 $0x7A80;
	s11 =	simm.s32 $0x8280;
	s12 =	simm.s32 $0x8A80  }
0x8: {  	s13 =	simm.s32 $0x9280;
	s14 =	simm.s32 $0x9A80;
	s15 =	simm.s32 $0xA280  }
0x9: {  	s16 =	simm.s32 $0xAA80;
	s2 =	sand.u32 $0x1, s2;
	s5 =	sshll.u32 s3, $0x1  }
0xa: {  	s17 =	simm.s32 $0xB280;
	s18 =	simm.s32 $0xBA80;
	s5 =	sor.u32 s2, s5  }
0xb: {  	s19 =	simm.s32 $0xC280;
	s3 =	simm.s32 $0x0;
	s6 =	smul.u32 $0x50, s5  }
0xc: {  	[smem:$0x7FF] =	sst s3;
	s2 =	ssub.s32 $0x2, s2;
	s7 =	smul.u32 $0x28000, s5  }
0xd: {  	_ =	strace $0x80000047;
	s5 =	smul.u32 $0x5000, s5;
	s24 =	sshrl.u32 s2, $0x1  }
0xe: {  	s2 =	ssub.s32 s2, s24;
	s24 =	simm.s32 $0x1A80;
	s0 =	sadd.s32 s6, s0  }
0xf: {  	s7 =	sshrl.u32 s7, $0x3;
	s25 =	sadd.s32 s4, s5;
	s5 =	simm.s32 $0x2  }
0x10: {  	s6 =	simm.s32 $0xCA80;
	s0 =	sadd.s32 $0xA00, s0;
	s4 =	sadd.s32 s4, s7  }
0x11: {  	v2 =	vlaneseq.u32;
	[dreg:$0x5] =	wrdreg s25;
	s25 =	simm.s32 $0x2280;
	s7 =	simm.s32 $0x6280  }
0x12: {  	vm0 =	vmmov $0xffff;
	v1 =	vshrl.u32 v2, $0x3;
	[dreg:$0x4] =	wrdreg s0;
	s26 =	sadd.s32 $0x2800, s4;
	s4 =	smax.u32 s2, $0x1  }
0x13: {  	v0 =	vand.u32 $0x7, v2;
	v2 =	vor.u32 $0x8, v2;
	v1 =	vmul.u32 $0x8, v1;
	s2 =	simm.s32 $0x5280;
	[dreg:$0x6] =	wrdreg s26;
	s26 =	simm.s32 $0x2A80  }
.LBB2_1:
0x14: {  	s21 =	rddreg [dreg:$0x4]  }
0x15: {  	[tilespmem:s3], [sflag:$0x2] =	stream.linear.gather [hbm4b:s21+s3], $0x280, $0x38;
	[tilespmem:$0x14280] =	vst v63  }
0x16: {  	_ =	swait.ge [sflag:s5], $0x280  }
0x17: {  	[sflag:s5] =	ssyncset.done $0x0  }
0x18: {  	[sflag:s5] =	ssyncadd.s32 $0xFFFFFD80  }
0x19: {  	v3 =	vld [tilespmem:$0x0];
	_ =	sdelay $0x4  }
0x1a: {  	v4 =	vshll.u32 v3, $0x1  }
0x1b: {  	v3 =	vand.u32 $0x7, v3;
	v4 =	vand.u32 $0xFFFFFFF0, v4  }
0x1c: {  	v3 =	vor.u32 v3, v4  }
0x1d: {  	v4 =	vperm.xlane v3, v0;
	_ =	sdelay $0x1  }
0x1e: {  	v3 =	vperm.xlane v3, v2;
	v4 =	vadd.s32 v1, v4;
	_ =	sdelay $0x1  }
0x1f: {  	v3 =	vadd.s32 v1, v3;
	_ =	sdelay $0x1  }
0x20: {  	s0 =	simm.s32 $0x280  }
0x21: {  	[tilespmem:s0], [sflag:$0x1] =	stream.indirect_vreg.gather [hbm4b:s1+s3], $0x80, v4, vm0, $0xb8;
	[tilespmem:$0x14280] =	vst v63  }
0x22: {  	_ = 	snop  }
0x23: {  	[tilespmem:s22], [sflag:$0x1] =	stream.indirect_vreg.gather [hbm4b:s1+s3], $0x80, v3, vm0, $0xb8;
	[tilespmem:$0x14280] =	vst v63  }
0x24: {  	v3 =	vld [tilespmem:$0x10];
	_ =	sdelay $0x4  }
0x25: {  	v25 =	vshll.u32 v3, $0x1  }
0x26: {  	v3 =	vand.u32 $0x7, v3;
	v4 =	vand.u32 $0xFFFFFFF0, v25  }
0x27: {  	v3 =	vor.u32 v3, v4  }
0x28: {  	v4 =	vperm.xlane v3, v0;
	_ =	sdelay $0x1  }
0x29: {  	v3 =	vperm.xlane v3, v2;
	v4 =	vadd.s32 v1, v4;
	_ =	sdelay $0x1  }
0x2a: {  	v3 =	vadd.s32 v1, v3;
	_ =	sdelay $0x2  }
0x2b: {  	[tilespmem:s23], [sflag:$0x1] =	stream.indirect_vreg.gather [hbm4b:s1+s3], $0x80, v4, vm0, $0xb8;
	[tilespmem:$0x14280] =	vst v63  }
0x2c: {  	_ = 	snop  }
0x2d: {  	[tilespmem:s24], [sflag:$0x1] =	stream.indirect_vreg.gather [hbm4b:s1+s3], $0x80, v3, vm0, $0xb8;
	[tilespmem:$0x14280] =	vst v63  }
0x2e: {  	v3 =	vld [tilespmem:$0x20];
	_ =	sdelay $0x4  }
0x2f: {  	v26 =	vshll.u32 v3, $0x1  }
0x30: {  	v3 =	vand.u32 $0x7, v3;
	v4 =	vand.u32 $0xFFFFFFF0, v26  }
0x31: {  	v3 =	vor.u32 v3, v4  }
0x32: {  	v4 =	vperm.xlane v3, v0;
	_ =	sdelay $0x1  }
0x33: {  	v3 =	vperm.xlane v3, v2;
	v4 =	vadd.s32 v1, v4;
	_ =	sdelay $0x1  }
0x34: {  	v3 =	vadd.s32 v1, v3;
	_ =	sdelay $0x2  }
0x35: {  	[tilespmem:s25], [sflag:$0x1] =	stream.indirect_vreg.gather [hbm4b:s1+s3], $0x80, v4, vm0, $0xb8;
	[tilespmem:$0x14280] =	vst v63  }
0x36: {  	_ = 	snop  }
0x37: {  	[tilespmem:s26], [sflag:$0x1] =	stream.indirect_vreg.gather [hbm4b:s1+s3], $0x80, v3, vm0, $0xb8;
	[tilespmem:$0x14280] =	vst v63  }
0x38: {  	v3 =	vld [tilespmem:$0x30];
	_ =	sdelay $0x4  }
0x39: {  	v27 =	vshll.u32 v3, $0x1  }
0x3a: {  	v3 =	vand.u32 $0x7, v3;
	v4 =	vand.u32 $0xFFFFFFF0, v27  }
0x3b: {  	v3 =	vor.u32 v3, v4  }
0x3c: {  	v4 =	vperm.xlane v3, v0;
	_ =	sdelay $0x1  }
0x3d: {  	v3 =	vperm.xlane v3, v2;
	v4 =	vadd.s32 v1, v4;
	_ =	sdelay $0x1  }
0x3e: {  	v3 =	vadd.s32 v1, v3;
	_ =	sdelay $0x2  }
0x3f: {  	[tilespmem:s28], [sflag:$0x1] =	stream.indirect_vreg.gather [hbm4b:s1+s3], $0x80, v4, vm0, $0xb8;
	[tilespmem:$0x14280] =	vst v63  }
0x40: {  	_ = 	snop  }
0x41: {  	[tilespmem:s29], [sflag:$0x1] =	stream.indirect_vreg.gather [hbm4b:s1+s3], $0x80, v3, vm0, $0xb8;
	[tilespmem:$0x14280] =	vst v63  }
0x42: {  	v3 =	vld [tilespmem:$0x40];
	_ =	sdelay $0x4  }
0x43: {  	v28 =	vshll.u32 v3, $0x1  }
0x44: {  	v3 =	vand.u32 $0x7, v3;
	v4 =	vand.u32 $0xFFFFFFF0, v28  }
0x45: {  	v3 =	vor.u32 v3, v4  }
0x46: {  	v4 =	vperm.xlane v3, v0;
	_ =	sdelay $0x1  }
0x47: {  	v3 =	vperm.xlane v3, v2;
	v4 =	vadd.s32 v1, v4;
	_ =	sdelay $0x1  }
0x48: {  	v3 =	vadd.s32 v1, v3;
	_ =	sdelay $0x2  }
0x49: {  	[tilespmem:s30], [sflag:$0x1] =	stream.indirect_vreg.gather [hbm4b:s1+s3], $0x80, v4, vm0, $0xb8;
	[tilespmem:$0x14280] =	vst v63  }
0x4a: {  	_ = 	snop  }
0x4b: {  	[tilespmem:s31], [sflag:$0x1] =	stream.indirect_vreg.gather [hbm4b:s1+s3], $0x80, v3, vm0, $0xb8;
	[tilespmem:$0x14280] =	vst v63  }
0x4c: {  	v3 =	vld [tilespmem:$0x50];
	_ =	sdelay $0x4  }
0x4d: {  	v29 =	vshll.u32 v3, $0x1  }
0x4e: {  	v3 =	vand.u32 $0x7, v3;
	v4 =	vand.u32 $0xFFFFFFF0, v29  }
0x4f: {  	v3 =	vor.u32 v3, v4  }
0x50: {  	v4 =	vperm.xlane v3, v0;
	_ =	sdelay $0x1  }
0x51: {  	v3 =	vperm.xlane v3, v2;
	v4 =	vadd.s32 v1, v4;
	_ =	sdelay $0x1  }
0x52: {  	v3 =	vadd.s32 v1, v3;
	_ =	sdelay $0x2  }
0x53: {  	[tilespmem:s2], [sflag:$0x1] =	stream.indirect_vreg.gather [hbm4b:s1+s3], $0x80, v4, vm0, $0xb8;
	[tilespmem:$0x14280] =	vst v63  }
0x54: {  	s21 =	simm.s32 $0x5A80  }
0x55: {  	[tilespmem:s21], [sflag:$0x1] =	stream.indirect_vreg.gather [hbm4b:s1+s3], $0x80, v3, vm0, $0xb8;
	[tilespmem:$0x14280] =	vst v63  }
0x56: {  	v3 =	vld [tilespmem:$0x60];
	_ =	sdelay $0x4  }
0x57: {  	v30 =	vshll.u32 v3, $0x1  }
0x58: {  	v3 =	vand.u32 $0x7, v3;
	v4 =	vand.u32 $0xFFFFFFF0, v30  }
0x59: {  	v3 =	vor.u32 v3, v4  }
0x5a: {  	v4 =	vperm.xlane v3, v0;
	_ =	sdelay $0x1  }
0x5b: {  	v3 =	vperm.xlane v3, v2;
	v4 =	vadd.s32 v1, v4;
	_ =	sdelay $0x1  }
0x5c: {  	v3 =	vadd.s32 v1, v3;
	_ =	sdelay $0x2  }
0x5d: {  	[tilespmem:s7], [sflag:$0x1] =	stream.indirect_vreg.gather [hbm4b:s1+s3], $0x80, v4, vm0, $0xb8;
	[tilespmem:$0x14280] =	vst v63  }
0x5e: {  	_ = 	snop  }
0x5f: {  	[tilespmem:s8], [sflag:$0x1] =	stream.indirect_vreg.gather [hbm4b:s1+s3], $0x80, v3, vm0, $0xb8;
	[tilespmem:$0x14280] =	vst v63  }
0x60: {  	v3 =	vld [tilespmem:$0x70];
	_ =	sdelay $0x4  }
0x61: {  	v31 =	vshll.u32 v3, $0x1  }
0x62: {  	v3 =	vand.u32 $0x7, v3;
	v4 =	vand.u32 $0xFFFFFFF0, v31  }
0x63: {  	v3 =	vor.u32 v3, v4  }
0x64: {  	v4 =	vperm.xlane v3, v0;
	_ =	sdelay $0x1  }
0x65: {  	v3 =	vperm.xlane v3, v2;
	v4 =	vadd.s32 v1, v4;
	_ =	sdelay $0x1  }
0x66: {  	v3 =	vadd.s32 v1, v3;
	_ =	sdelay $0x2  }
0x67: {  	[tilespmem:s9], [sflag:$0x1] =	stream.indirect_vreg.gather [hbm4b:s1+s3], $0x80, v4, vm0, $0xb8;
	[tilespmem:$0x14280] =	vst v63  }
0x68: {  	_ = 	snop  }
0x69: {  	[tilespmem:s10], [sflag:$0x1] =	stream.indirect_vreg.gather [hbm4b:s1+s3], $0x80, v3, vm0, $0xb8;
	[tilespmem:$0x14280] =	vst v63  }
0x6a: {  	v3 =	vld [tilespmem:$0x80];
	_ =	sdelay $0x4  }
0x6b: {  	v32 =	vshll.u32 v3, $0x1  }
0x6c: {  	v3 =	vand.u32 $0x7, v3;
	v4 =	vand.u32 $0xFFFFFFF0, v32  }
0x6d: {  	v3 =	vor.u32 v3, v4  }
0x6e: {  	v4 =	vperm.xlane v3, v0;
	_ =	sdelay $0x1  }
0x6f: {  	v3 =	vperm.xlane v3, v2;
	v4 =	vadd.s32 v1, v4;
	_ =	sdelay $0x1  }
0x70: {  	v3 =	vadd.s32 v1, v3;
	_ =	sdelay $0x2  }
0x71: {  	[tilespmem:s11], [sflag:$0x1] =	stream.indirect_vreg.gather [hbm4b:s1+s3], $0x80, v4, vm0, $0xb8;
	[tilespmem:$0x14280] =	vst v63  }
0x72: {  	_ = 	snop  }
0x73: {  	[tilespmem:s12], [sflag:$0x1] =	stream.indirect_vreg.gather [hbm4b:s1+s3], $0x80, v3, vm0, $0xb8;
	[tilespmem:$0x14280] =	vst v63  }
0x74: {  	v3 =	vld [tilespmem:$0x90];
	_ =	sdelay $0x4  }
0x75: {  	v33 =	vshll.u32 v3, $0x1  }
0x76: {  	v3 =	vand.u32 $0x7, v3;
	v4 =	vand.u32 $0xFFFFFFF0, v33  }
0x77: {  	v3 =	vor.u32 v3, v4  }
0x78: {  	v4 =	vperm.xlane v3, v0;
	_ =	sdelay $0x1  }
0x79: {  	v3 =	vperm.xlane v3, v2;
	v4 =	vadd.s32 v1, v4;
	_ =	sdelay $0x1  }
0x7a: {  	v3 =	vadd.s32 v1, v3;
	_ =	sdelay $0x2  }
0x7b: {  	[tilespmem:s13], [sflag:$0x1] =	stream.indirect_vreg.gather [hbm4b:s1+s3], $0x80, v4, vm0, $0xb8;
	[tilespmem:$0x14280] =	vst v63  }
0x7c: {  	_ = 	snop  }
0x7d: {  	[tilespmem:s14], [sflag:$0x1] =	stream.indirect_vreg.gather [hbm4b:s1+s3], $0x80, v3, vm0, $0xb8;
	[tilespmem:$0x14280] =	vst v63  }
0x7e: {  	v3 =	vld [tilespmem:$0xA0];
	_ =	sdelay $0x4  }
0x7f: {  	v34 =	vshll.u32 v3, $0x1  }
0x80: {  	v3 =	vand.u32 $0x7, v3;
	v4 =	vand.u32 $0xFFFFFFF0, v34  }
0x81: {  	v3 =	vor.u32 v3, v4  }
0x82: {  	v4 =	vperm.xlane v3, v0;
	_ =	sdelay $0x1  }
0x83: {  	v3 =	vperm.xlane v3, v2;
	v4 =	vadd.s32 v1, v4;
	_ =	sdelay $0x1  }
0x84: {  	v3 =	vadd.s32 v1, v3;
	_ =	sdelay $0x2  }
0x85: {  	[tilespmem:s15], [sflag:$0x1] =	stream.indirect_vreg.gather [hbm4b:s1+s3], $0x80, v4, vm0, $0xb8;
	[tilespmem:$0x14280] =	vst v63  }
0x86: {  	_ = 	snop  }
0x87: {  	[tilespmem:s16], [sflag:$0x1] =	stream.indirect_vreg.gather [hbm4b:s1+s3], $0x80, v3, vm0, $0xb8;
	[tilespmem:$0x14280] =	vst v63  }
0x88: {  	v3 =	vld [tilespmem:$0xB0];
	_ =	sdelay $0x4  }
0x89: {  	v35 =	vshll.u32 v3, $0x1  }
0x8a: {  	v3 =	vand.u32 $0x7, v3;
	v4 =	vand.u32 $0xFFFFFFF0, v35  }
0x8b: {  	v3 =	vor.u32 v3, v4  }
0x8c: {  	v4 =	vperm.xlane v3, v0;
	_ =	sdelay $0x1  }
0x8d: {  	v3 =	vperm.xlane v3, v2;
	v4 =	vadd.s32 v1, v4;
	_ =	sdelay $0x1  }
0x8e: {  	v3 =	vadd.s32 v1, v3;
	_ =	sdelay $0x2  }
0x8f: {  	[tilespmem:s17], [sflag:$0x1] =	stream.indirect_vreg.gather [hbm4b:s1+s3], $0x80, v4, vm0, $0xb8;
	[tilespmem:$0x14280] =	vst v63  }
0x90: {  	_ = 	snop  }
0x91: {  	[tilespmem:s18], [sflag:$0x1] =	stream.indirect_vreg.gather [hbm4b:s1+s3], $0x80, v3, vm0, $0xb8;
	[tilespmem:$0x14280] =	vst v63  }
0x92: {  	v3 =	vld [tilespmem:$0xC0];
	_ =	sdelay $0x4  }
0x93: {  	v36 =	vshll.u32 v3, $0x1  }
0x94: {  	v3 =	vand.u32 $0x7, v3;
	v4 =	vand.u32 $0xFFFFFFF0, v36  }
0x95: {  	v3 =	vor.u32 v3, v4  }
0x96: {  	v4 =	vperm.xlane v3, v0;
	_ =	sdelay $0x1  }
0x97: {  	v3 =	vperm.xlane v3, v2;
	v4 =	vadd.s32 v1, v4;
	_ =	sdelay $0x1  }
0x98: {  	v3 =	vadd.s32 v1, v3;
	_ =	sdelay $0x2  }
0x99: {  	[tilespmem:s19], [sflag:$0x1] =	stream.indirect_vreg.gather [hbm4b:s1+s3], $0x80, v4, vm0, $0xb8;
	[tilespmem:$0x14280] =	vst v63  }
0x9a: {  	_ = 	snop  }
0x9b: {  	[tilespmem:s6], [sflag:$0x1] =	stream.indirect_vreg.gather [hbm4b:s1+s3], $0x80, v3, vm0, $0xb8;
	[tilespmem:$0x14280] =	vst v63  }
0x9c: {  	v3 =	vld [tilespmem:$0xD0];
	_ =	sdelay $0x4  }
0x9d: {  	v37 =	vshll.u32 v3, $0x1  }
0x9e: {  	v3 =	vand.u32 $0x7, v3;
	v4 =	vand.u32 $0xFFFFFFF0, v37  }
0x9f: {  	v3 =	vor.u32 v3, v4  }
0xa0: {  	v4 =	vperm.xlane v3, v0;
	_ =	sdelay $0x1  }
0xa1: {  	v3 =	vperm.xlane v3, v2;
	v4 =	vadd.s32 v1, v4;
	_ =	sdelay $0x1  }
0xa2: {  	v3 =	vadd.s32 v1, v3;
	_ =	sdelay $0x1  }
0xa3: {  	s21 =	simm.s32 $0xD280  }
0xa4: {  	[tilespmem:s21], [sflag:$0x1] =	stream.indirect_vreg.gather [hbm4b:s1+s3], $0x80, v4, vm0, $0xb8;
	[tilespmem:$0x14280] =	vst v63  }
0xa5: {  	s21 =	simm.s32 $0xDA80  }
0xa6: {  	[tilespmem:s21], [sflag:$0x1] =	stream.indirect_vreg.gather [hbm4b:s1+s3], $0x80, v3, vm0, $0xb8;
	[tilespmem:$0x14280] =	vst v63  }
0xa7: {  	v3 =	vld [tilespmem:$0xE0];
	_ =	sdelay $0x4  }
0xa8: {  	v38 =	vshll.u32 v3, $0x1  }
0xa9: {  	v3 =	vand.u32 $0x7, v3;
	v4 =	vand.u32 $0xFFFFFFF0, v38  }
0xaa: {  	v3 =	vor.u32 v3, v4  }
0xab: {  	v4 =	vperm.xlane v3, v0;
	_ =	sdelay $0x1  }
0xac: {  	v3 =	vperm.xlane v3, v2;
	v4 =	vadd.s32 v1, v4;
	_ =	sdelay $0x1  }
0xad: {  	v3 =	vadd.s32 v1, v3;
	_ =	sdelay $0x1  }
0xae: {  	s21 =	simm.s32 $0xE280  }
0xaf: {  	[tilespmem:s21], [sflag:$0x1] =	stream.indirect_vreg.gather [hbm4b:s1+s3], $0x80, v4, vm0, $0xb8;
	[tilespmem:$0x14280] =	vst v63  }
0xb0: {  	s21 =	simm.s32 $0xEA80  }
0xb1: {  	[tilespmem:s21], [sflag:$0x1] =	stream.indirect_vreg.gather [hbm4b:s1+s3], $0x80, v3, vm0, $0xb8;
	[tilespmem:$0x14280] =	vst v63  }
0xb2: {  	v3 =	vld [tilespmem:$0xF0];
	_ =	sdelay $0x4  }
0xb3: {  	v39 =	vshll.u32 v3, $0x1  }
0xb4: {  	v3 =	vand.u32 $0x7, v3;
	v4 =	vand.u32 $0xFFFFFFF0, v39  }
0xb5: {  	v3 =	vor.u32 v3, v4  }
0xb6: {  	v4 =	vperm.xlane v3, v0;
	_ =	sdelay $0x1  }
0xb7: {  	v3 =	vperm.xlane v3, v2;
	v4 =	vadd.s32 v1, v4;
	_ =	sdelay $0x1  }
0xb8: {  	v3 =	vadd.s32 v1, v3;
	_ =	sdelay $0x1  }
0xb9: {  	s21 =	simm.s32 $0xF280  }
0xba: {  	[tilespmem:s21], [sflag:$0x1] =	stream.indirect_vreg.gather [hbm4b:s1+s3], $0x80, v4, vm0, $0xb8;
	[tilespmem:$0x14280] =	vst v63  }
0xbb: {  	s21 =	simm.s32 $0xFA80  }
0xbc: {  	[tilespmem:s21], [sflag:$0x1] =	stream.indirect_vreg.gather [hbm4b:s1+s3], $0x80, v3, vm0, $0xb8;
	[tilespmem:$0x14280] =	vst v63  }
0xbd: {  	v3 =	vld [tilespmem:$0x100];
	_ =	sdelay $0x4  }
0xbe: {  	v40 =	vshll.u32 v3, $0x1  }
0xbf: {  	v3 =	vand.u32 $0x7, v3;
	v4 =	vand.u32 $0xFFFFFFF0, v40  }
0xc0: {  	v3 =	vor.u32 v3, v4  }
0xc1: {  	v4 =	vperm.xlane v3, v0;
	_ =	sdelay $0x1  }
0xc2: {  	v3 =	vperm.xlane v3, v2;
	v4 =	vadd.s32 v1, v4;
	_ =	sdelay $0x1  }
0xc3: {  	v3 =	vadd.s32 v1, v3;
	_ =	sdelay $0x1  }
0xc4: {  	s21 =	simm.s32 $0x10280  }
0xc5: {  	[tilespmem:s21], [sflag:$0x1] =	stream.indirect_vreg.gather [hbm4b:s1+s3], $0x80, v4, vm0, $0xb8;
	[tilespmem:$0x14280] =	vst v63  }
0xc6: {  	s21 =	simm.s32 $0x10A80  }
0xc7: {  	[tilespmem:s21], [sflag:$0x1] =	stream.indirect_vreg.gather [hbm4b:s1+s3], $0x80, v3, vm0, $0xb8;
	[tilespmem:$0x14280] =	vst v63  }
0xc8: {  	v3 =	vld [tilespmem:$0x110];
	_ =	sdelay $0x4  }
0xc9: {  	v41 =	vshll.u32 v3, $0x1  }
0xca: {  	v3 =	vand.u32 $0x7, v3;
	v4 =	vand.u32 $0xFFFFFFF0, v41  }
0xcb: {  	v3 =	vor.u32 v3, v4  }
0xcc: {  	v4 =	vperm.xlane v3, v0;
	_ =	sdelay $0x1  }
0xcd: {  	v3 =	vperm.xlane v3, v2;
	v4 =	vadd.s32 v1, v4;
	_ =	sdelay $0x1  }
0xce: {  	v3 =	vadd.s32 v1, v3;
	_ =	sdelay $0x1  }
0xcf: {  	s21 =	simm.s32 $0x11280  }
0xd0: {  	[tilespmem:s21], [sflag:$0x1] =	stream.indirect_vreg.gather [hbm4b:s1+s3], $0x80, v4, vm0, $0xb8;
	[tilespmem:$0x14280] =	vst v63  }
0xd1: {  	s21 =	simm.s32 $0x11A80  }
0xd2: {  	[tilespmem:s21], [sflag:$0x1] =	stream.indirect_vreg.gather [hbm4b:s1+s3], $0x80, v3, vm0, $0xb8;
	[tilespmem:$0x14280] =	vst v63  }
0xd3: {  	v3 =	vld [tilespmem:$0x120];
	_ =	sdelay $0x4  }
0xd4: {  	v42 =	vshll.u32 v3, $0x1  }
0xd5: {  	v3 =	vand.u32 $0x7, v3;
	v4 =	vand.u32 $0xFFFFFFF0, v42  }
0xd6: {  	v3 =	vor.u32 v3, v4  }
0xd7: {  	v4 =	vperm.xlane v3, v0;
	_ =	sdelay $0x1  }
0xd8: {  	v3 =	vperm.xlane v3, v2;
	v4 =	vadd.s32 v1, v4;
	_ =	sdelay $0x1  }
0xd9: {  	v3 =	vadd.s32 v1, v3;
	_ =	sdelay $0x1  }
0xda: {  	s21 =	simm.s32 $0x12280  }
0xdb: {  	[tilespmem:s21], [sflag:$0x1] =	stream.indirect_vreg.gather [hbm4b:s1+s3], $0x80, v4, vm0, $0xb8;
	[tilespmem:$0x14280] =	vst v63  }
0xdc: {  	s21 =	simm.s32 $0x12A80  }
0xdd: {  	[tilespmem:s21], [sflag:$0x1] =	stream.indirect_vreg.gather [hbm4b:s1+s3], $0x80, v3, vm0, $0xb8;
	[tilespmem:$0x14280] =	vst v63  }
0xde: {  	v3 =	vld [tilespmem:$0x130];
	_ =	sdelay $0x4  }
0xdf: {  	v43 =	vshll.u32 v3, $0x1  }
0xe0: {  	v3 =	vand.u32 $0x7, v3;
	v4 =	vand.u32 $0xFFFFFFF0, v43  }
0xe1: {  	v3 =	vor.u32 v3, v4  }
0xe2: {  	v4 =	vperm.xlane v3, v0;
	_ =	sdelay $0x1  }
0xe3: {  	v3 =	vperm.xlane v3, v2;
	v4 =	vadd.s32 v1, v4;
	_ =	sdelay $0x1  }
0xe4: {  	v3 =	vadd.s32 v1, v3;
	_ =	sdelay $0x1  }
0xe5: {  	s21 =	simm.s32 $0x13280  }
0xe6: {  	[tilespmem:s21], [sflag:$0x1] =	stream.indirect_vreg.gather [hbm4b:s1+s3], $0x80, v4, vm0, $0xb8;
	[tilespmem:$0x14280] =	vst v63  }
0xe7: {  	s21 =	simm.s32 $0x13A80  }
0xe8: {  	[tilespmem:s21], [sflag:$0x1] =	stream.indirect_vreg.gather [hbm4b:s1+s3], $0x80, v3, vm0, $0xb8;
	[tilespmem:$0x14280] =	vst v63  }
0xe9: {  	_ =	swait.ge [sflag:s20], $0x14000  }
0xea: {  	[sflag:s20] =	ssyncset.done $0x0  }
0xeb: {  	s0 =	simm.s32 $0x280;
	s21 =	rddreg [dreg:$0x5];
	[sflag:s20] =	ssyncadd.s32 $0xFFFEC000  }
0xec: {  	[hbm4b:s21+s3] =	stream.linear.scatter [tilespmem:s0], [sflag:$0x2], $0x14000, $0x38;
	[tilespmem:$0x14280] =	vst v63  }
0xed: {  	_ =	swait.ge [sflag:s5], $0x14000  }
0xee: {  	[sflag:s5] =	ssyncset.done $0x0  }
0xef: {  	[sflag:s5] =	ssyncadd.s32 $0xFFFEC000  }
0xf0: {  	v3 =	vld [tilespmem:$0x140];
	_ =	sdelay $0x4  }
0xf1: {  	v44 =	vshll.u32 v3, $0x1  }
0xf2: {  	v3 =	vand.u32 $0x7, v3;
	v4 =	vand.u32 $0xFFFFFFF0, v44  }
0xf3: {  	v3 =	vor.u32 v3, v4  }
0xf4: {  	v4 =	vperm.xlane v3, v0;
	_ =	sdelay $0x1  }
0xf5: {  	v3 =	vperm.xlane v3, v2;
	v4 =	vadd.s32 v1, v4;
	_ =	sdelay $0x1  }
0xf6: {  	v3 =	vadd.s32 v1, v3;
	_ =	sdelay $0x2  }
0xf7: {  	[tilespmem:s0], [sflag:$0x1] =	stream.indirect_vreg.gather [hbm4b:s1+s3], $0x80, v4, vm0, $0xb8;
	[tilespmem:$0x14280] =	vst v63  }
0xf8: {  	_ = 	snop  }
0xf9: {  	[tilespmem:s22], [sflag:$0x1] =	stream.indirect_vreg.gather [hbm4b:s1+s3], $0x80, v3, vm0, $0xb8;
	[tilespmem:$0x14280] =	vst v63  }
0xfa: {  	v3 =	vld [tilespmem:$0x150];
	_ =	sdelay $0x4  }
0xfb: {  	v45 =	vshll.u32 v3, $0x1  }
0xfc: {  	v3 =	vand.u32 $0x7, v3;
	v4 =	vand.u32 $0xFFFFFFF0, v45  }
0xfd: {  	v3 =	vor.u32 v3, v4  }
0xfe: {  	v4 =	vperm.xlane v3, v0;
	_ =	sdelay $0x1  }
0xff: {  	v3 =	vperm.xlane v3, v2;
	v4 =	vadd.s32 v1, v4;
	_ =	sdelay $0x1  }
0x100: {  	v3 =	vadd.s32 v1, v3;
	_ =	sdelay $0x2  }
0x101: {  	[tilespmem:s23], [sflag:$0x1] =	stream.indirect_vreg.gather [hbm4b:s1+s3], $0x80, v4, vm0, $0xb8;
	[tilespmem:$0x14280] =	vst v63  }
0x102: {  	_ = 	snop  }
0x103: {  	[tilespmem:s24], [sflag:$0x1] =	stream.indirect_vreg.gather [hbm4b:s1+s3], $0x80, v3, vm0, $0xb8;
	[tilespmem:$0x14280] =	vst v63  }
0x104: {  	v3 =	vld [tilespmem:$0x160];
	_ =	sdelay $0x4  }
0x105: {  	v46 =	vshll.u32 v3, $0x1  }
0x106: {  	v3 =	vand.u32 $0x7, v3;
	v4 =	vand.u32 $0xFFFFFFF0, v46  }
0x107: {  	v3 =	vor.u32 v3, v4  }
0x108: {  	v4 =	vperm.xlane v3, v0;
	_ =	sdelay $0x1  }
0x109: {  	v3 =	vperm.xlane v3, v2;
	v4 =	vadd.s32 v1, v4;
	_ =	sdelay $0x1  }
0x10a: {  	v3 =	vadd.s32 v1, v3;
	_ =	sdelay $0x2  }
0x10b: {  	[tilespmem:s25], [sflag:$0x1] =	stream.indirect_vreg.gather [hbm4b:s1+s3], $0x80, v4, vm0, $0xb8;
	[tilespmem:$0x14280] =	vst v63  }
0x10c: {  	_ = 	snop  }
0x10d: {  	[tilespmem:s26], [sflag:$0x1] =	stream.indirect_vreg.gather [hbm4b:s1+s3], $0x80, v3, vm0, $0xb8;
	[tilespmem:$0x14280] =	vst v63  }
0x10e: {  	v3 =	vld [tilespmem:$0x170];
	_ =	sdelay $0x4  }
0x10f: {  	v47 =	vshll.u32 v3, $0x1  }
0x110: {  	v3 =	vand.u32 $0x7, v3;
	v4 =	vand.u32 $0xFFFFFFF0, v47  }
0x111: {  	v3 =	vor.u32 v3, v4  }
0x112: {  	v4 =	vperm.xlane v3, v0;
	_ =	sdelay $0x1  }
0x113: {  	v3 =	vperm.xlane v3, v2;
	v4 =	vadd.s32 v1, v4;
	_ =	sdelay $0x1  }
0x114: {  	v3 =	vadd.s32 v1, v3;
	_ =	sdelay $0x2  }
0x115: {  	[tilespmem:s28], [sflag:$0x1] =	stream.indirect_vreg.gather [hbm4b:s1+s3], $0x80, v4, vm0, $0xb8;
	[tilespmem:$0x14280] =	vst v63  }
0x116: {  	_ = 	snop  }
0x117: {  	[tilespmem:s29], [sflag:$0x1] =	stream.indirect_vreg.gather [hbm4b:s1+s3], $0x80, v3, vm0, $0xb8;
	[tilespmem:$0x14280] =	vst v63  }
0x118: {  	v3 =	vld [tilespmem:$0x180];
	_ =	sdelay $0x4  }
0x119: {  	v48 =	vshll.u32 v3, $0x1  }
0x11a: {  	v3 =	vand.u32 $0x7, v3;
	v4 =	vand.u32 $0xFFFFFFF0, v48  }
0x11b: {  	v3 =	vor.u32 v3, v4  }
0x11c: {  	v4 =	vperm.xlane v3, v0;
	_ =	sdelay $0x1  }
0x11d: {  	v3 =	vperm.xlane v3, v2;
	v4 =	vadd.s32 v1, v4;
	_ =	sdelay $0x1  }
0x11e: {  	v3 =	vadd.s32 v1, v3;
	_ =	sdelay $0x2  }
0x11f: {  	[tilespmem:s30], [sflag:$0x1] =	stream.indirect_vreg.gather [hbm4b:s1+s3], $0x80, v4, vm0, $0xb8;
	[tilespmem:$0x14280] =	vst v63  }
0x120: {  	_ = 	snop  }
0x121: {  	[tilespmem:s31], [sflag:$0x1] =	stream.indirect_vreg.gather [hbm4b:s1+s3], $0x80, v3, vm0, $0xb8;
	[tilespmem:$0x14280] =	vst v63  }
0x122: {  	v3 =	vld [tilespmem:$0x190];
	_ =	sdelay $0x4  }
0x123: {  	v49 =	vshll.u32 v3, $0x1  }
0x124: {  	v3 =	vand.u32 $0x7, v3;
	v4 =	vand.u32 $0xFFFFFFF0, v49  }
0x125: {  	v3 =	vor.u32 v3, v4  }
0x126: {  	v4 =	vperm.xlane v3, v0;
	_ =	sdelay $0x1  }
0x127: {  	v3 =	vperm.xlane v3, v2;
	v4 =	vadd.s32 v1, v4;
	_ =	sdelay $0x1  }
0x128: {  	v3 =	vadd.s32 v1, v3;
	_ =	sdelay $0x2  }
0x129: {  	[tilespmem:s2], [sflag:$0x1] =	stream.indirect_vreg.gather [hbm4b:s1+s3], $0x80, v4, vm0, $0xb8;
	[tilespmem:$0x14280] =	vst v63  }
0x12a: {  	s21 =	simm.s32 $0x5A80  }
0x12b: {  	[tilespmem:s21], [sflag:$0x1] =	stream.indirect_vreg.gather [hbm4b:s1+s3], $0x80, v3, vm0, $0xb8;
	[tilespmem:$0x14280] =	vst v63  }
0x12c: {  	v3 =	vld [tilespmem:$0x1A0];
	_ =	sdelay $0x4  }
0x12d: {  	v50 =	vshll.u32 v3, $0x1  }
0x12e: {  	v3 =	vand.u32 $0x7, v3;
	v4 =	vand.u32 $0xFFFFFFF0, v50  }
0x12f: {  	v3 =	vor.u32 v3, v4  }
0x130: {  	v4 =	vperm.xlane v3, v0;
	_ =	sdelay $0x1  }
0x131: {  	v3 =	vperm.xlane v3, v2;
	v4 =	vadd.s32 v1, v4;
	_ =	sdelay $0x1  }
0x132: {  	v3 =	vadd.s32 v1, v3;
	_ =	sdelay $0x2  }
0x133: {  	[tilespmem:s7], [sflag:$0x1] =	stream.indirect_vreg.gather [hbm4b:s1+s3], $0x80, v4, vm0, $0xb8;
	[tilespmem:$0x14280] =	vst v63  }
0x134: {  	_ = 	snop  }
0x135: {  	[tilespmem:s8], [sflag:$0x1] =	stream.indirect_vreg.gather [hbm4b:s1+s3], $0x80, v3, vm0, $0xb8;
	[tilespmem:$0x14280] =	vst v63  }
0x136: {  	v3 =	vld [tilespmem:$0x1B0];
	_ =	sdelay $0x4  }
0x137: {  	v51 =	vshll.u32 v3, $0x1  }
0x138: {  	v3 =	vand.u32 $0x7, v3;
	v4 =	vand.u32 $0xFFFFFFF0, v51  }
0x139: {  	v3 =	vor.u32 v3, v4  }
0x13a: {  	v4 =	vperm.xlane v3, v0;
	_ =	sdelay $0x1  }
0x13b: {  	v3 =	vperm.xlane v3, v2;
	v4 =	vadd.s32 v1, v4;
	_ =	sdelay $0x1  }
0x13c: {  	v3 =	vadd.s32 v1, v3;
	_ =	sdelay $0x2  }
0x13d: {  	[tilespmem:s9], [sflag:$0x1] =	stream.indirect_vreg.gather [hbm4b:s1+s3], $0x80, v4, vm0, $0xb8;
	[tilespmem:$0x14280] =	vst v63  }
0x13e: {  	_ = 	snop  }
0x13f: {  	[tilespmem:s10], [sflag:$0x1] =	stream.indirect_vreg.gather [hbm4b:s1+s3], $0x80, v3, vm0, $0xb8;
	[tilespmem:$0x14280] =	vst v63  }
0x140: {  	v3 =	vld [tilespmem:$0x1C0];
	_ =	sdelay $0x4  }
0x141: {  	v52 =	vshll.u32 v3, $0x1  }
0x142: {  	v3 =	vand.u32 $0x7, v3;
	v4 =	vand.u32 $0xFFFFFFF0, v52  }
0x143: {  	v3 =	vor.u32 v3, v4  }
0x144: {  	v4 =	vperm.xlane v3, v0;
	_ =	sdelay $0x1  }
0x145: {  	v3 =	vperm.xlane v3, v2;
	v4 =	vadd.s32 v1, v4;
	_ =	sdelay $0x1  }
0x146: {  	v3 =	vadd.s32 v1, v3;
	_ =	sdelay $0x2  }
0x147: {  	[tilespmem:s11], [sflag:$0x1] =	stream.indirect_vreg.gather [hbm4b:s1+s3], $0x80, v4, vm0, $0xb8;
	[tilespmem:$0x14280] =	vst v63  }
0x148: {  	_ = 	snop  }
0x149: {  	[tilespmem:s12], [sflag:$0x1] =	stream.indirect_vreg.gather [hbm4b:s1+s3], $0x80, v3, vm0, $0xb8;
	[tilespmem:$0x14280] =	vst v63  }
0x14a: {  	v3 =	vld [tilespmem:$0x1D0];
	_ =	sdelay $0x4  }
0x14b: {  	v53 =	vshll.u32 v3, $0x1  }
0x14c: {  	v3 =	vand.u32 $0x7, v3;
	v4 =	vand.u32 $0xFFFFFFF0, v53  }
0x14d: {  	v3 =	vor.u32 v3, v4  }
0x14e: {  	v4 =	vperm.xlane v3, v0;
	_ =	sdelay $0x1  }
0x14f: {  	v3 =	vperm.xlane v3, v2;
	v4 =	vadd.s32 v1, v4;
	_ =	sdelay $0x1  }
0x150: {  	v3 =	vadd.s32 v1, v3;
	_ =	sdelay $0x2  }
0x151: {  	[tilespmem:s13], [sflag:$0x1] =	stream.indirect_vreg.gather [hbm4b:s1+s3], $0x80, v4, vm0, $0xb8;
	[tilespmem:$0x14280] =	vst v63  }
0x152: {  	_ = 	snop  }
0x153: {  	[tilespmem:s14], [sflag:$0x1] =	stream.indirect_vreg.gather [hbm4b:s1+s3], $0x80, v3, vm0, $0xb8;
	[tilespmem:$0x14280] =	vst v63  }
0x154: {  	v3 =	vld [tilespmem:$0x1E0];
	_ =	sdelay $0x4  }
0x155: {  	v54 =	vshll.u32 v3, $0x1  }
0x156: {  	v3 =	vand.u32 $0x7, v3;
	v4 =	vand.u32 $0xFFFFFFF0, v54  }
0x157: {  	v3 =	vor.u32 v3, v4  }
0x158: {  	v4 =	vperm.xlane v3, v0;
	_ =	sdelay $0x1  }
0x159: {  	v3 =	vperm.xlane v3, v2;
	v4 =	vadd.s32 v1, v4;
	_ =	sdelay $0x1  }
0x15a: {  	v3 =	vadd.s32 v1, v3;
	_ =	sdelay $0x2  }
0x15b: {  	[tilespmem:s15], [sflag:$0x1] =	stream.indirect_vreg.gather [hbm4b:s1+s3], $0x80, v4, vm0, $0xb8;
	[tilespmem:$0x14280] =	vst v63  }
0x15c: {  	_ = 	snop  }
0x15d: {  	[tilespmem:s16], [sflag:$0x1] =	stream.indirect_vreg.gather [hbm4b:s1+s3], $0x80, v3, vm0, $0xb8;
	[tilespmem:$0x14280] =	vst v63  }
0x15e: {  	v3 =	vld [tilespmem:$0x1F0];
	_ =	sdelay $0x4  }
0x15f: {  	v55 =	vshll.u32 v3, $0x1  }
0x160: {  	v3 =	vand.u32 $0x7, v3;
	v4 =	vand.u32 $0xFFFFFFF0, v55  }
0x161: {  	v3 =	vor.u32 v3, v4  }
0x162: {  	v4 =	vperm.xlane v3, v0;
	_ =	sdelay $0x1  }
0x163: {  	v3 =	vperm.xlane v3, v2;
	v4 =	vadd.s32 v1, v4;
	_ =	sdelay $0x1  }
0x164: {  	v3 =	vadd.s32 v1, v3;
	_ =	sdelay $0x2  }
0x165: {  	[tilespmem:s17], [sflag:$0x1] =	stream.indirect_vreg.gather [hbm4b:s1+s3], $0x80, v4, vm0, $0xb8;
	[tilespmem:$0x14280] =	vst v63  }
0x166: {  	_ = 	snop  }
0x167: {  	[tilespmem:s18], [sflag:$0x1] =	stream.indirect_vreg.gather [hbm4b:s1+s3], $0x80, v3, vm0, $0xb8;
	[tilespmem:$0x14280] =	vst v63  }
0x168: {  	v3 =	vld [tilespmem:$0x200];
	_ =	sdelay $0x4  }
0x169: {  	v56 =	vshll.u32 v3, $0x1  }
0x16a: {  	v3 =	vand.u32 $0x7, v3;
	v4 =	vand.u32 $0xFFFFFFF0, v56  }
0x16b: {  	v3 =	vor.u32 v3, v4  }
0x16c: {  	v4 =	vperm.xlane v3, v0;
	_ =	sdelay $0x1  }
0x16d: {  	v3 =	vperm.xlane v3, v2;
	v4 =	vadd.s32 v1, v4;
	_ =	sdelay $0x1  }
0x16e: {  	v3 =	vadd.s32 v1, v3;
	_ =	sdelay $0x2  }
0x16f: {  	[tilespmem:s19], [sflag:$0x1] =	stream.indirect_vreg.gather [hbm4b:s1+s3], $0x80, v4, vm0, $0xb8;
	[tilespmem:$0x14280] =	vst v63  }
0x170: {  	_ = 	snop  }
0x171: {  	[tilespmem:s6], [sflag:$0x1] =	stream.indirect_vreg.gather [hbm4b:s1+s3], $0x80, v3, vm0, $0xb8;
	[tilespmem:$0x14280] =	vst v63  }
0x172: {  	v3 =	vld [tilespmem:$0x210];
	_ =	sdelay $0x4  }
0x173: {  	v57 =	vshll.u32 v3, $0x1  }
0x174: {  	v3 =	vand.u32 $0x7, v3;
	v4 =	vand.u32 $0xFFFFFFF0, v57  }
0x175: {  	v3 =	vor.u32 v3, v4  }
0x176: {  	v4 =	vperm.xlane v3, v0;
	_ =	sdelay $0x1  }
0x177: {  	v3 =	vperm.xlane v3, v2;
	v4 =	vadd.s32 v1, v4;
	_ =	sdelay $0x1  }
0x178: {  	v3 =	vadd.s32 v1, v3;
	_ =	sdelay $0x1  }
0x179: {  	s21 =	simm.s32 $0xD280  }
0x17a: {  	[tilespmem:s21], [sflag:$0x1] =	stream.indirect_vreg.gather [hbm4b:s1+s3], $0x80, v4, vm0, $0xb8;
	[tilespmem:$0x14280] =	vst v63  }
0x17b: {  	s21 =	simm.s32 $0xDA80  }
0x17c: {  	[tilespmem:s21], [sflag:$0x1] =	stream.indirect_vreg.gather [hbm4b:s1+s3], $0x80, v3, vm0, $0xb8;
	[tilespmem:$0x14280] =	vst v63  }
0x17d: {  	v3 =	vld [tilespmem:$0x220];
	_ =	sdelay $0x4  }
0x17e: {  	v58 =	vshll.u32 v3, $0x1  }
0x17f: {  	v3 =	vand.u32 $0x7, v3;
	v4 =	vand.u32 $0xFFFFFFF0, v58  }
0x180: {  	v3 =	vor.u32 v3, v4  }
0x181: {  	v4 =	vperm.xlane v3, v0;
	_ =	sdelay $0x1  }
0x182: {  	v3 =	vperm.xlane v3, v2;
	v4 =	vadd.s32 v1, v4;
	_ =	sdelay $0x1  }
0x183: {  	v3 =	vadd.s32 v1, v3;
	_ =	sdelay $0x1  }
0x184: {  	s21 =	simm.s32 $0xE280  }
0x185: {  	[tilespmem:s21], [sflag:$0x1] =	stream.indirect_vreg.gather [hbm4b:s1+s3], $0x80, v4, vm0, $0xb8;
	[tilespmem:$0x14280] =	vst v63  }
0x186: {  	s21 =	simm.s32 $0xEA80  }
0x187: {  	[tilespmem:s21], [sflag:$0x1] =	stream.indirect_vreg.gather [hbm4b:s1+s3], $0x80, v3, vm0, $0xb8;
	[tilespmem:$0x14280] =	vst v63  }
0x188: {  	v3 =	vld [tilespmem:$0x230];
	_ =	sdelay $0x4  }
0x189: {  	v59 =	vshll.u32 v3, $0x1  }
0x18a: {  	v3 =	vand.u32 $0x7, v3;
	v4 =	vand.u32 $0xFFFFFFF0, v59  }
0x18b: {  	v3 =	vor.u32 v3, v4  }
0x18c: {  	v4 =	vperm.xlane v3, v0;
	_ =	sdelay $0x1  }
0x18d: {  	v3 =	vperm.xlane v3, v2;
	v4 =	vadd.s32 v1, v4;
	_ =	sdelay $0x1  }
0x18e: {  	v3 =	vadd.s32 v1, v3;
	_ =	sdelay $0x1  }
0x18f: {  	s21 =	simm.s32 $0xF280  }
0x190: {  	[tilespmem:s21], [sflag:$0x1] =	stream.indirect_vreg.gather [hbm4b:s1+s3], $0x80, v4, vm0, $0xb8;
	[tilespmem:$0x14280] =	vst v63  }
0x191: {  	s21 =	simm.s32 $0xFA80  }
0x192: {  	[tilespmem:s21], [sflag:$0x1] =	stream.indirect_vreg.gather [hbm4b:s1+s3], $0x80, v3, vm0, $0xb8;
	[tilespmem:$0x14280] =	vst v63  }
0x193: {  	v3 =	vld [tilespmem:$0x240];
	_ =	sdelay $0x4  }
0x194: {  	v60 =	vshll.u32 v3, $0x1  }
0x195: {  	v3 =	vand.u32 $0x7, v3;
	v4 =	vand.u32 $0xFFFFFFF0, v60  }
0x196: {  	v3 =	vor.u32 v3, v4  }
0x197: {  	v4 =	vperm.xlane v3, v0;
	_ =	sdelay $0x1  }
0x198: {  	v3 =	vperm.xlane v3, v2;
	v4 =	vadd.s32 v1, v4;
	_ =	sdelay $0x1  }
0x199: {  	v3 =	vadd.s32 v1, v3;
	_ =	sdelay $0x1  }
0x19a: {  	s21 =	simm.s32 $0x10280  }
0x19b: {  	[tilespmem:s21], [sflag:$0x1] =	stream.indirect_vreg.gather [hbm4b:s1+s3], $0x80, v4, vm0, $0xb8;
	[tilespmem:$0x14280] =	vst v63  }
0x19c: {  	s21 =	simm.s32 $0x10A80  }
0x19d: {  	[tilespmem:s21], [sflag:$0x1] =	stream.indirect_vreg.gather [hbm4b:s1+s3], $0x80, v3, vm0, $0xb8;
	[tilespmem:$0x14280] =	vst v63  }
0x19e: {  	v3 =	vld [tilespmem:$0x250];
	_ =	sdelay $0x4  }
0x19f: {  	v61 =	vshll.u32 v3, $0x1  }
0x1a0: {  	v3 =	vand.u32 $0x7, v3;
	v4 =	vand.u32 $0xFFFFFFF0, v61  }
0x1a1: {  	v3 =	vor.u32 v3, v4  }
0x1a2: {  	v4 =	vperm.xlane v3, v0;
	_ =	sdelay $0x1  }
0x1a3: {  	v3 =	vperm.xlane v3, v2;
	v4 =	vadd.s32 v1, v4;
	_ =	sdelay $0x1  }
0x1a4: {  	v3 =	vadd.s32 v1, v3;
	_ =	sdelay $0x1  }
0x1a5: {  	s21 =	simm.s32 $0x11280  }
0x1a6: {  	[tilespmem:s21], [sflag:$0x1] =	stream.indirect_vreg.gather [hbm4b:s1+s3], $0x80, v4, vm0, $0xb8;
	[tilespmem:$0x14280] =	vst v63  }
0x1a7: {  	s21 =	simm.s32 $0x11A80  }
0x1a8: {  	[tilespmem:s21], [sflag:$0x1] =	stream.indirect_vreg.gather [hbm4b:s1+s3], $0x80, v3, vm0, $0xb8;
	[tilespmem:$0x14280] =	vst v63  }
0x1a9: {  	v3 =	vld [tilespmem:$0x260];
	_ =	sdelay $0x4  }
0x1aa: {  	v62 =	vshll.u32 v3, $0x1  }
0x1ab: {  	v3 =	vand.u32 $0x7, v3;
	v4 =	vand.u32 $0xFFFFFFF0, v62  }
0x1ac: {  	v3 =	vor.u32 v3, v4  }
0x1ad: {  	v4 =	vperm.xlane v3, v0;
	_ =	sdelay $0x1  }
0x1ae: {  	v3 =	vperm.xlane v3, v2;
	v4 =	vadd.s32 v1, v4;
	_ =	sdelay $0x1  }
0x1af: {  	v3 =	vadd.s32 v1, v3;
	_ =	sdelay $0x1  }
0x1b0: {  	s21 =	simm.s32 $0x12280  }
0x1b1: {  	[tilespmem:s21], [sflag:$0x1] =	stream.indirect_vreg.gather [hbm4b:s1+s3], $0x80, v4, vm0, $0xb8;
	[tilespmem:$0x14280] =	vst v63  }
0x1b2: {  	s21 =	simm.s32 $0x12A80  }
0x1b3: {  	[tilespmem:s21], [sflag:$0x1] =	stream.indirect_vreg.gather [hbm4b:s1+s3], $0x80, v3, vm0, $0xb8;
	[tilespmem:$0x14280] =	vst v63  }
0x1b4: {  	v3 =	vld [tilespmem:$0x270];
	_ =	sdelay $0x4  }
0x1b5: {  	v63 =	vshll.u32 v3, $0x1  }
0x1b6: {  	v3 =	vand.u32 $0x7, v3;
	v4 =	vand.u32 $0xFFFFFFF0, v63  }
0x1b7: {  	v3 =	vor.u32 v3, v4  }
0x1b8: {  	v4 =	vperm.xlane v3, v0;
	_ =	sdelay $0x1  }
0x1b9: {  	v3 =	vperm.xlane v3, v2;
	v4 =	vadd.s32 v1, v4;
	_ =	sdelay $0x1  }
0x1ba: {  	v3 =	vadd.s32 v1, v3;
	_ =	sdelay $0x1  }
0x1bb: {  	s21 =	simm.s32 $0x13280  }
0x1bc: {  	[tilespmem:s21], [sflag:$0x1] =	stream.indirect_vreg.gather [hbm4b:s1+s3], $0x80, v4, vm0, $0xb8;
	[tilespmem:$0x14280] =	vst v63  }
0x1bd: {  	s21 =	simm.s32 $0x13A80  }
0x1be: {  	[tilespmem:s21], [sflag:$0x1] =	stream.indirect_vreg.gather [hbm4b:s1+s3], $0x80, v3, vm0, $0xb8;
	[tilespmem:$0x14280] =	vst v63  }
0x1bf: {  	_ =	swait.ge [sflag:s20], $0x14000  }
0x1c0: {  	p0 =	sne.s32 s4, $0x1;
	s0 =	simm.s32 $0x280;
	[sflag:s20] =	ssyncset.done $0x0  }
.Ltmp0:
0x1c1: {  	s21 =	rddreg [dreg:$0x6];
	[sflag:s20] =	ssyncadd.s32 $0xFFFEC000;
	(pc) =	sbr.rel @p0 .LBB2_1-.Ltmp0, $4  }
0x1c2: {  	[hbm4b:s21+s3] =	stream.linear.scatter [tilespmem:s0], [sflag:$0x2], $0x14000, $0x38;
	[tilespmem:$0x14280] =	vst v63  }
0x1c3: {  	_ =	swait.ge [sflag:s5], $0x14000  }
0x1c4: {  	[sflag:s5] =	ssyncset.done $0x0  }
0x1c5: {  	s4 =	sadd.s32 $0xFFFFFFFF, s4;
	[sflag:s5] =	ssyncadd.s32 $0xFFFEC000  }
0x1c6: {  	_ =	sfence.sel $0x180000  }
0x1c7: {  	[bflag:$0x0] =	sbarrier.arrive $0xFFFF  }
0x1c8: {  	_ =	strace $0x90000047  }
0x1c9: {  	s0 =	stileid.u32;
	[bflag:$0x2] =	sbarrier.arrive $0xFFFF  }
0x1ca: {  	p0 =	sne.s32 s0, $0x0;
	s0 =	rddreg [dreg:$0x3]  }
0x1cb: {  	s0 =	sadd.s32 @!p0 $0x100000, s0  }
0x1cc: {  	[sflag:s0] =	ssyncadd.tile.s32 @!p0 $0x1;
	_ =	shalt  }
.Lfunc_end2:
_tile_overlayer_lowered:
.L_overlay_start_2:
0x1cd: {  	(tag) =	ssettag $0x2  }
0x1ce: {  	s0 =	rddreg [dreg:$0x0];
	s2 =	stileid.u32  }
0x1cf: {  	s1 =	rddreg [dreg:$0x1];
	p0 =	sne.s32 s2, $0x0  }
0x1d0: {  	s3 =	rddreg [dreg:$0x2];
	[bflag:$0x3] =	sbarrier.arrive $0xFFFF;
	s2 =	simm.s32 @!p0 $0x1C02  }
0x1d1: {  	[timem:s3], [sflag:s2] =	dma.local @!p0 [hbm:s0], s1  }
0x1d2: {  	s0 =	simm.s32 @!p0 $0x2  }
0x1d3: {  	_ =	swait.ge @!p0 [sflag:s0], s1  }
0x1d4: {  	s1 =	ssub.s32 @!p0 $0x0, s1;
	[sflag:s0] =	ssyncset.done @!p0 $0x0  }
0x1d5: {  	[sflag:s0] =	ssyncadd.s32 @!p0 s1  }
0x1d6: {  	[bflag:$0x3] =	sbarrier.arrive $0xFFFF  }
0x1d7: {  	_ =	shalt  }

</sc_bundles>
